<compile_context>
chip_gen: v7x
topology: tpu7x:2x2x1
jax: 0.10.2.dev20260603
libtpu: 0.0.44.dev20260713+nightly
codegen_flags: <defaults>
</compile_context>

<pallas_src>
import jax
import jax.numpy as jnp
from jax import lax
from jax.experimental import pallas as pl
from jax.experimental.pallas import tpu as pltpu
from jax.experimental.pallas import tpu_sc as plsc

N = 100000
S = 1000
SP = 1024
D = 512
DH = 1024
NC, NW = 2, 32
RB = 2000
NB = N // RB
EPS = 1e-5


GCH = 80
NCH2 = N // GCH

def _gather_body(T_hbm, idx2_hbm, Egi_hbm,
                 buf0, buf1, idxb0, idxb1,
                 semi0, semi1, semg0, semg1, semw0, semw1):
    c = lax.axis_index("c")
    s = lax.axis_index("s")
    wid = s * NC + c
    c0 = (wid * NCH2) // NW
    c1 = ((wid + 1) * NCH2) // NW
    nmine = c1 - c0

    def start_i(i, idxb, sem):
        pltpu.async_copy(idx2_hbm.at[pl.ds((c0 + i) * GCH, GCH)], idxb, sem)

    def wait_i(idxb, sem):
        pltpu.make_async_copy(idx2_hbm.at[pl.ds(0, GCH)], idxb, sem).wait()

    def start_g(buf, idxb, sem):
        pltpu.async_copy(T_hbm.at[idxb], buf, sem)

    def wait_g(buf, sem):
        pltpu.make_async_copy(T_hbm.at[pl.ds(0, GCH)], buf, sem).wait()

    def write_out(i, buf, sem):
        we = pltpu.async_copy(buf, Egi_hbm.at[pl.ds((c0 + i) * GCH, GCH)], sem)
        return we

    start_i(0, idxb0, semi0)
    wait_i(idxb0, semi0)
    start_g(buf0, idxb0, semg0)
    start_i(1, idxb1, semi1)

    def body(k, carry):
        a = 2 * k
        b = a + 1
        wait_g(buf0, semg0)

        @pl.when(b < nmine)
        def _():
            wait_i(idxb1, semi1)
            start_g(buf1, idxb1, semg1)

        wa = write_out(a, buf0, semw0)

        @pl.when(a + 2 < nmine)
        def _():
            start_i(a + 2, idxb0, semi0)

        @pl.when(b < nmine)
        def _():
            wait_g(buf1, semg1)

        wa.wait()

        @pl.when(a + 2 < nmine)
        def _():
            wait_i(idxb0, semi0)
            start_g(buf0, idxb0, semg0)

        @pl.when(b < nmine)
        def _():
            wb = write_out(b, buf1, semw1)

            @pl.when(b + 2 < nmine)
            def _():
                start_i(b + 2, idxb1, semi1)

            wb.wait()

        return carry

    lax.fori_loop(0, (nmine + 1) // 2, body, 0)


def _sc_gather(TE, eidx):
    idx2 = eidx
    mesh = plsc.VectorSubcoreMesh(core_axis_name="c", subcore_axis_name="s")
    f = pl.kernel(
        _gather_body,
        out_type=jax.ShapeDtypeStruct((N, DH // 2), jnp.int32),
        mesh=mesh,
        scratch_types=[
            pltpu.VMEM((GCH, DH // 2), jnp.int32),
            pltpu.VMEM((GCH, DH // 2), jnp.int32),
            pltpu.VMEM((GCH,), jnp.int32),
            pltpu.VMEM((GCH,), jnp.int32),
            pltpu.SemaphoreType.DMA,
            pltpu.SemaphoreType.DMA,
            pltpu.SemaphoreType.DMA,
            pltpu.SemaphoreType.DMA,
            pltpu.SemaphoreType.DMA,
            pltpu.SemaphoreType.DMA,
        ],
    )
    return f(TE, idx2)


def _pack16(v_lo, v_hi):
    blo = lax.bitcast_convert_type(
        v_lo.astype(jnp.bfloat16).astype(jnp.float32), jnp.uint32) >> 16
    bhi = lax.bitcast_convert_type(
        v_hi.astype(jnp.bfloat16).astype(jnp.float32), jnp.uint32) >> 16
    return lax.bitcast_convert_type((bhi << 16) | blo, jnp.int32)


def _unpack16(x):
    u = lax.bitcast_convert_type(x, jnp.uint32)
    lo = lax.bitcast_convert_type(u << 16, jnp.float32)
    hi = lax.bitcast_convert_type(u & jnp.uint32(0xFFFF0000), jnp.float32)
    return lo, hi


def _tables_body(ps_ref, pc_ref, Wa_ref, We_ref, bA_ref, TE_ref, Abf_ref):
    sums = ps_ref[0:S, :]
    cnt = pc_ref[0:S, 0:1].astype(jnp.float32)
    pooled = sums / jnp.maximum(cnt, 1.0)
    pa = pooled[:, 0:256]
    pe = pooled[:, 256:512]
    A = jnp.dot(pa, Wa_ref[...], preferred_element_type=jnp.float32) + bA_ref[...]
    E = jnp.dot(pe, We_ref[...], preferred_element_type=jnp.float32)
    TE_ref[0:S, :] = _pack16(E[:, 0:512], E[:, 512:1024])
    Abf_ref[0:S, :] = A.astype(jnp.bfloat16)
    Abf_ref[S:SP, :] = jnp.zeros((SP - S, DH), jnp.bfloat16)


def _tc_tables(psums, pcnt, Wa, We, bA):
    return pl.pallas_call(
        _tables_body,
        out_shape=(jax.ShapeDtypeStruct((SP, DH // 2), jnp.int32),
                   jax.ShapeDtypeStruct((SP, DH), jnp.bfloat16)),
    )(psums, pcnt, Wa, We, bA)


RP = 2000
NBP = N // RP

def _pool_body(x_ref, idx_ref, ps_ref, pc_ref):
    xb16 = x_ref[...].astype(jnp.bfloat16)
    ids = idx_ref[0]
    ohT = (lax.broadcasted_iota(jnp.int32, (SP, RP), 0)
           == jnp.broadcast_to(ids, (SP, RP))).astype(jnp.bfloat16)
    ps = jnp.dot(ohT, xb16, preferred_element_type=jnp.float32)
    pc = jnp.dot(ohT, jnp.ones((RP, 8), jnp.bfloat16),
                 preferred_element_type=jnp.float32)

    @pl.when(pl.program_id(0) == 0)
    def _():
        ps_ref[...] = ps
        pc_ref[...] = pc

    @pl.when(pl.program_id(0) != 0)
    def _():
        ps_ref[...] = ps_ref[...] + ps
        pc_ref[...] = pc_ref[...] + pc


def _tc_pool(x, aidx3p):
    return pl.pallas_call(
        _pool_body,
        grid=(NBP,),
        in_specs=[
            pl.BlockSpec((RP, D), lambda i: (i, 0)),
            pl.BlockSpec((1, 1, RP), lambda i: (i, 0, 0)),
        ],
        out_specs=(pl.BlockSpec((SP, D), lambda i: (0, 0)),
                   pl.BlockSpec((SP, 8), lambda i: (0, 0))),
        out_shape=(jax.ShapeDtypeStruct((SP, D), jnp.float32),
                   jax.ShapeDtypeStruct((SP, 8), jnp.float32)),
    )(x, aidx3p)


def _h0a_body(x_ref, rdf_ref, bdf_ref, idx_ref, Wx_ref, Wdr_ref, Wdb_ref,
              Abf_ref, H0_ref):
    xb16 = x_ref[...].astype(jnp.bfloat16)
    o = jnp.dot(xb16, Wx_ref[...], preferred_element_type=jnp.float32)
    dr = jnp.dot(rdf_ref[...].astype(jnp.bfloat16), Wdr_ref[...],
                 preferred_element_type=jnp.float32)
    db = jnp.dot(bdf_ref[...].astype(jnp.bfloat16), Wdb_ref[...],
                 preferred_element_type=jnp.float32)
    ids = idx_ref[0]
    ohT = (lax.broadcasted_iota(jnp.int32, (SP, RB), 0)
           == jnp.broadcast_to(ids, (SP, RB))).astype(jnp.bfloat16)
    ag = lax.dot_general(ohT, Abf_ref[...], (((0,), (0,)), ((), ())),
                         preferred_element_type=jnp.float32)
    H0_ref[...] = (o + ag
                   + jnp.concatenate([dr, db], axis=1)).astype(jnp.bfloat16)


def _tc_h0a(x, rdf, bdf, aidx3, Wx, Wdr, Wdb, Abf):
    return pl.pallas_call(
        _h0a_body,
        grid=(NB,),
        in_specs=[
            pl.BlockSpec((RB, D), lambda i: (i, 0)),
            pl.BlockSpec((RB, 128), lambda i: (i, 0)),
            pl.BlockSpec((RB, 128), lambda i: (i, 0)),
            pl.BlockSpec((1, 1, RB), lambda i: (i, 0, 0)),
            pl.BlockSpec((D, DH), lambda i: (0, 0)),
            pl.BlockSpec((128, D), lambda i: (0, 0)),
            pl.BlockSpec((128, D), lambda i: (0, 0)),
            pl.BlockSpec((SP, DH), lambda i: (0, 0)),
        ],
        out_specs=pl.BlockSpec((RB, DH), lambda i: (i, 0)),
        out_shape=jax.ShapeDtypeStruct((N, DH), jnp.bfloat16),
    )(x, rdf, bdf, aidx3, Wx, Wdr, Wdb, Abf)


def _stats1_body(H0_ref, Eg_ref, st_ref):
    elo, ehi = _unpack16(Eg_ref[...])
    h = H0_ref[...].astype(jnp.float32) + jnp.concatenate([elo, ehi], axis=1)
    ssum = jnp.sum(h, axis=0, keepdims=True)
    sqsum = jnp.sum(h * h, axis=0, keepdims=True)
    blk = jnp.concatenate([ssum, sqsum], axis=0)

    @pl.when(pl.program_id(0) == 0)
    def _():
        st_ref[...] = blk

    @pl.when(pl.program_id(0) != 0)
    def _():
        st_ref[...] = st_ref[...] + blk


def _tc_stats1(H0, Eg):
    return pl.pallas_call(
        _stats1_body,
        grid=(NB,),
        in_specs=[
            pl.BlockSpec((RB, DH), lambda i: (i, 0)),
            pl.BlockSpec((RB, DH // 2), lambda i: (i, 0)),
        ],
        out_specs=pl.BlockSpec((2, DH), lambda i: (0, 0)),
        out_shape=jax.ShapeDtypeStruct((2, DH), jnp.float32),
    )(H0, Eg)


def _layer2_body(H0_ref, Eg_ref, st_ref, g1_ref, bt1_ref,
                 W2_ref, b2_ref, h2_ref, st2_ref):
    nf = jnp.float32(N)
    mu = st_ref[0:1, :] / nf
    var = st_ref[1:2, :] / nf - mu * mu
    rstd = lax.rsqrt(var + EPS)
    scale = g1_ref[...] * rstd
    shift = bt1_ref[...] - mu * scale
    elo, ehi = _unpack16(Eg_ref[...])
    h1 = (H0_ref[...].astype(jnp.float32)
          + jnp.concatenate([elo, ehi], axis=1))
    x12 = jnp.maximum(h1 * scale + shift, 0.0)
    h2 = jnp.dot(x12.astype(jnp.bfloat16), W2_ref[...],
                 preferred_element_type=jnp.float32) + b2_ref[...]
    h2_ref[...] = h2.astype(jnp.bfloat16)
    ssum = jnp.sum(h2, axis=0, keepdims=True)
    sqsum = jnp.sum(h2 * h2, axis=0, keepdims=True)
    blk = jnp.concatenate([ssum, sqsum], axis=0)

    @pl.when(pl.program_id(0) == 0)
    def _():
        st2_ref[...] = blk

    @pl.when(pl.program_id(0) != 0)
    def _():
        st2_ref[...] = st2_ref[...] + blk


def _tc_layer2(H0, Eg, st1, g1, bt1, W2, b2):
    return pl.pallas_call(
        _layer2_body,
        grid=(NB,),
        in_specs=[
            pl.BlockSpec((RB, DH), lambda i: (i, 0)),
            pl.BlockSpec((RB, DH // 2), lambda i: (i, 0)),
            pl.BlockSpec((2, DH), lambda i: (0, 0)),
            pl.BlockSpec((1, DH), lambda i: (0, 0)),
            pl.BlockSpec((1, DH), lambda i: (0, 0)),
            pl.BlockSpec((DH, D), lambda i: (0, 0)),
            pl.BlockSpec((1, D), lambda i: (0, 0)),
        ],
        out_specs=(pl.BlockSpec((RB, D), lambda i: (i, 0)),
                   pl.BlockSpec((2, D), lambda i: (0, 0))),
        out_shape=(jax.ShapeDtypeStruct((N, D), jnp.bfloat16),
                   jax.ShapeDtypeStruct((2, D), jnp.float32)),
    )(H0, Eg, st1, g1, bt1, W2, b2)


def _norm2_body(h2_ref, st2_ref, g2_ref, bt2_ref, out_ref):
    nf = jnp.float32(N)
    mu = st2_ref[0:1, :] / nf
    var = st2_ref[1:2, :] / nf - mu * mu
    rstd = lax.rsqrt(var + EPS)
    scale = g2_ref[...] * rstd
    shift = bt2_ref[...] - mu * scale
    out_ref[...] = jnp.maximum(h2_ref[...].astype(jnp.float32) * scale + shift,
                               0.0)


def _tc_norm2(h2, st2, g2, bt2):
    return pl.pallas_call(
        _norm2_body,
        grid=(NB,),
        in_specs=[
            pl.BlockSpec((RB, D), lambda i: (i, 0)),
            pl.BlockSpec((2, D), lambda i: (0, 0)),
            pl.BlockSpec((1, D), lambda i: (0, 0)),
            pl.BlockSpec((1, D), lambda i: (0, 0)),
        ],
        out_specs=pl.BlockSpec((RB, D), lambda i: (i, 0)),
        out_shape=jax.ShapeDtypeStruct((N, D), jnp.float32),
    )(h2, st2, g2, bt2)


def kernel(x, rdf_feat, bdf_feat, atom_idx, ele_idx,
           W1r, b1r, g1r, bt1r,
           W1b, b1b, g1b, bt1b,
           W2, b2, g2, bt2):
    aidx = atom_idx.astype(jnp.int32)
    eidx = ele_idx.astype(jnp.int32)

    Wx = jnp.concatenate(
        [jnp.concatenate([W1r[0:256], W1r[512:768]], axis=0),
         jnp.concatenate([W1b[0:256], W1b[512:768]], axis=0)], axis=1)
    Wdr = W1r[1024:1152]
    Wdb = W1b[1024:1152]
    Wa = jnp.concatenate([W1r[256:512], W1b[256:512]], axis=1)
    We = jnp.concatenate([W1r[768:1024], W1b[768:1024]], axis=1)
    bA = jnp.concatenate([b1r, b1b])[None, :]
    g1 = jnp.concatenate([g1r, g1b])[None, :]
    bt1 = jnp.concatenate([bt1r, bt1b])[None, :]

    aidx3 = aidx.reshape(NB, 1, RB)
    psums, pcnt = _tc_pool(x, aidx.reshape(NBP, 1, RP))
    TE, Abf = _tc_tables(psums, pcnt, Wa, We, bA)
    Eg = _sc_gather(TE, eidx)
    H0 = _tc_h0a(x, rdf_feat, bdf_feat, aidx3,
                 Wx.astype(jnp.bfloat16), Wdr.astype(jnp.bfloat16),
                 Wdb.astype(jnp.bfloat16), Abf)
    st1 = _tc_stats1(H0, Eg)
    h2, st2 = _tc_layer2(H0, Eg, st1, g1, bt1,
                         W2.astype(jnp.bfloat16), b2[None, :])
    return _tc_norm2(h2, st2, g2[None, :], bt2[None, :])

# --- scband reference (transcript-rebuilt; emitter-appended) ---
"""Pipeline reference for scband-module-dist-layers-88794153877512 (READ-ONLY COPY).

The authoritative reference and input builder live on the scoring server;
editing this copy changes nothing except your own understanding.
"""

import jax, jax.numpy as jnp
import numpy as np

N = 100000
N_AE = 256
N_RE = 128
N_BE = 128
S = 1000  # number of graphs/segments


def _global_mean_pool(data, idx, num_segments):
    sums = jax.ops.segment_sum(data, idx, num_segments=num_segments)
    counts = jax.ops.segment_sum(jnp.ones((data.shape[0],), data.dtype), idx, num_segments=num_segments)
    return sums / jnp.clip(counts, 1.0)[:, None]


def _bn(h, gamma, beta, eps=1e-5):
    mu = jnp.mean(h, axis=0)
    var = jnp.var(h, axis=0)
    return (h - mu) / jnp.sqrt(var + eps) * gamma + beta


def _dist_layer(xin, atom_idx, ele_idx, n_ae, W, b, gamma, beta):
    x_atom = xin[:, :n_ae]
    x_ele = xin[:, n_ae:2 * n_ae]
    x_dist = xin[:, 2 * n_ae:]
    pooled_atom = _global_mean_pool(x_atom, atom_idx, S)
    pooled_ele = _global_mean_pool(x_ele, atom_idx, S)
    h = jnp.concatenate([x_atom, pooled_atom[atom_idx, :], x_ele, pooled_ele[ele_idx, :], x_dist], axis=1)
    h = h @ W + b
    return jax.nn.relu(_bn(h, gamma, beta))


def setup_inputs(seed: int = 0):
    key = jax.random.key(seed)
    ks = jax.random.split(key, 12)
    inp = {}
    inp["x"] = jax.random.normal(ks[0], (N, 2 * N_AE), dtype=jnp.float32)
    inp["rdf_feat"] = jax.random.normal(ks[1], (N, N_RE), dtype=jnp.float32)
    inp["bdf_feat"] = jax.random.normal(ks[2], (N, N_BE), dtype=jnp.float32)
    inp["atom_idx"] = jnp.sort(jax.random.randint(ks[3], (N,), 0, S, dtype=jnp.int64))
    inp["ele_idx"] = jax.random.randint(ks[4], (N,), 0, S, dtype=jnp.int64)
    d_in_r = 4 * N_AE + N_RE
    d_in_b = 4 * N_AE + N_BE
    d_out = 2 * N_AE
    inp["W1r"] = jax.random.normal(ks[5], (d_in_r, d_out), dtype=jnp.float32) * 0.02
    inp["b1r"] = jnp.zeros((d_out,), jnp.float32)
    inp["g1r"] = jnp.ones((d_out,), jnp.float32)
    inp["bt1r"] = jnp.zeros((d_out,), jnp.float32)
    inp["W1b"] = jax.random.normal(ks[6], (d_in_b, d_out), dtype=jnp.float32) * 0.02
    inp["b1b"] = jnp.zeros((d_out,), jnp.float32)
    inp["g1b"] = jnp.ones((d_out,), jnp.float32)
    inp["bt1b"] = jnp.zeros((d_out,), jnp.float32)
    inp["W2"] = jax.random.normal(ks[7], (4 * N_AE, d_out), dtype=jnp.float32) * 0.02
    inp["b2"] = jnp.zeros((d_out,), jnp.float32)
    inp["g2"] = jnp.ones((d_out,), jnp.float32)
    inp["bt2"] = jnp.zeros((d_out,), jnp.float32)
    return inp


def reference(x, rdf_feat, bdf_feat, atom_idx, ele_idx,
              W1r, b1r, g1r, bt1r,
              W1b, b1b, g1b, bt1b,
              W2, b2, g2, bt2):
    n_ae = x.shape[1] // 2
    x1 = _dist_layer(jnp.concatenate([x, rdf_feat], axis=1), atom_idx, ele_idx, n_ae, W1r, b1r, g1r, bt1r)
    x2 = _dist_layer(jnp.concatenate([x, bdf_feat], axis=1), atom_idx, ele_idx, n_ae, W1b, b1b, g1b, bt1b)
    h = jnp.concatenate([x1, x2], axis=1) @ W2 + b2
    h = jax.nn.relu(_bn(h, g2, bt2))
    return h

if __name__ == "__main__":
    import jax
    _d = setup_inputs()
    print(jax.jit(kernel)(*tuple(_d.values())))

</pallas_src>

<mosaic_0001>
#map = affine_map<(d0, d1) -> (0, 0)>
#map1 = affine_map<(d0, d1) -> (0)>
module attributes {stable_mosaic.version = 14 : i64} {
  func.func @_gather_body(%arg0: i32, %arg1: i32, %arg2: memref<1024x512xi32, #tpu.memory_space<hbm>>, %arg3: memref<100000xi32, #tpu.memory_space<hbm>>, %arg4: memref<100000x512xi32, #tpu.memory_space<hbm>>, %arg5: memref<80x512xi32, #tpu.memory_space<vmem>>, %arg6: memref<80x512xi32, #tpu.memory_space<vmem>>, %arg7: memref<80xi32, #tpu.memory_space<vmem>>, %arg8: memref<80xi32, #tpu.memory_space<vmem>>, %arg9: memref<!tpu.dma_semaphore, #tpu.memory_space<semaphore_mem>>, %arg10: memref<!tpu.dma_semaphore, #tpu.memory_space<semaphore_mem>>, %arg11: memref<!tpu.dma_semaphore, #tpu.memory_space<semaphore_mem>>, %arg12: memref<!tpu.dma_semaphore, #tpu.memory_space<semaphore_mem>>, %arg13: memref<!tpu.dma_semaphore, #tpu.memory_space<semaphore_mem>>, %arg14: memref<!tpu.dma_semaphore, #tpu.memory_space<semaphore_mem>>) attributes {dimension_semantics = [#tpu.dimension_semantics<core_parallel>, #tpu.dimension_semantics<subcore_parallel>], iteration_bounds = array<i64: 2, 16>, scalar_prefetch = 0 : i64, scratch_operands = 10 : i64, tpu.core_type = #tpu.core_type<sc_vector_subcore>, window_params = [{transform_indices = #map}, {transform_indices = #map1}, {transform_indices = #map}]} {
    %mul3A = arith.constant 2 : i32
    %mul3A_0 = arith.muli %arg1, %mul3A : i32
    %add3A = arith.addi %mul3A_0, %arg0 : i32
    %mul3A_1 = arith.constant 1250 : i32
    %mul3A_2 = arith.muli %add3A, %mul3A_1 : i32
    %jit3A = arith.constant 32 : i32
    %div3A = arith.divsi %mul3A_2, %jit3A : i32
    %sign3A = arith.constant 0 : i32
    %sign3A_3 = arith.cmpi sgt, %mul3A_2, %sign3A : i32
    %sign3A_4 = arith.extui %sign3A_3 : i1 to i32
    %sign3A_5 = arith.constant 0 : i32
    %sign3A_6 = arith.cmpi slt, %mul3A_2, %sign3A_5 : i32
    %sign3A_7 = arith.extui %sign3A_6 : i1 to i32
    %sign3A_8 = arith.subi %sign3A_4, %sign3A_7 : i32
    %sign3A_9 = arith.constant 0 : i32
    %sign3A_10 = arith.cmpi sgt, %jit3A, %sign3A_9 : i32
    %sign3A_11 = arith.extui %sign3A_10 : i1 to i32
    %sign3A_12 = arith.constant 0 : i32
    %sign3A_13 = arith.cmpi slt, %jit3A, %sign3A_12 : i32
    %sign3A_14 = arith.extui %sign3A_13 : i1 to i32
    %sign3A_15 = arith.subi %sign3A_11, %sign3A_14 : i32
    %ne3A = arith.cmpi ne, %sign3A_8, %sign3A_15 : i32
    %rem3A = arith.remsi %mul3A_2, %jit3A : i32
    %ne3A_16 = arith.constant 0 : i32
    %ne3A_17 = arith.cmpi ne, %rem3A, %ne3A_16 : i32
    %and3A = arith.andi %ne3A, %ne3A_17 : i1
    %sub3A = arith.constant 1 : i32
    %sub3A_18 = arith.subi %div3A, %sub3A : i32
    %select_n3A = arith.select %and3A, %sub3A_18, %div3A : i32
    %add3A_19 = arith.constant 1 : i32
    %add3A_20 = arith.addi %add3A, %add3A_19 : i32
    %mul3A_21 = arith.constant 1250 : i32
    %mul3A_22 = arith.muli %add3A_20, %mul3A_21 : i32
    %jit3A_23 = arith.constant 32 : i32
    %div3A_24 = arith.divsi %mul3A_22, %jit3A_23 : i32
    %sign3A_25 = arith.constant 0 : i32
    %sign3A_26 = arith.cmpi sgt, %mul3A_22, %sign3A_25 : i32
    %sign3A_27 = arith.extui %sign3A_26 : i1 to i32
    %sign3A_28 = arith.constant 0 : i32
    %sign3A_29 = arith.cmpi slt, %mul3A_22, %sign3A_28 : i32
    %sign3A_30 = arith.extui %sign3A_29 : i1 to i32
    %sign3A_31 = arith.subi %sign3A_27, %sign3A_30 : i32
    %sign3A_32 = arith.constant 0 : i32
    %sign3A_33 = arith.cmpi sgt, %jit3A_23, %sign3A_32 : i32
    %sign3A_34 = arith.extui %sign3A_33 : i1 to i32
    %sign3A_35 = arith.constant 0 : i32
    %sign3A_36 = arith.cmpi slt, %jit3A_23, %sign3A_35 : i32
    %sign3A_37 = arith.extui %sign3A_36 : i1 to i32
    %sign3A_38 = arith.subi %sign3A_34, %sign3A_37 : i32
    %ne3A_39 = arith.cmpi ne, %sign3A_31, %sign3A_38 : i32
    %rem3A_40 = arith.remsi %mul3A_22, %jit3A_23 : i32
    %ne3A_41 = arith.constant 0 : i32
    %ne3A_42 = arith.cmpi ne, %rem3A_40, %ne3A_41 : i32
    %and3A_43 = arith.andi %ne3A_39, %ne3A_42 : i1
    %sub3A_44 = arith.constant 1 : i32
    %sub3A_45 = arith.subi %div3A_24, %sub3A_44 : i32
    %select_n3A_46 = arith.select %and3A_43, %sub3A_45, %div3A_24 : i32
    %sub3A_47 = arith.subi %select_n3A_46, %select_n3A : i32
    %add3A_48 = arith.constant 0 : i32
    %add3A_49 = arith.addi %select_n3A, %add3A_48 : i32
    %mul3A_50 = arith.constant 80 : i32
    %mul3A_51 = arith.muli %add3A_49, %mul3A_50 : i32
    %dma_start3A = tpu.memref_slice %arg3[%mul3A_51] : memref<100000xi32, #tpu.memory_space<hbm>> -> memref<80xi32, #tpu.memory_space<hbm>>
    %dma_start3A_52 = tpu.memref_slice %arg3[%mul3A_51] : memref<100000xi32, #tpu.memory_space<hbm>> -> memref<80xi32, #tpu.memory_space<hbm>>
    tpu.enqueue_dma source(%dma_start3A_52 : memref<80xi32, #tpu.memory_space<hbm>>) target(%arg7 : memref<80xi32, #tpu.memory_space<vmem>>) target_semaphore(%arg9 : memref<!tpu.dma_semaphore, #tpu.memory_space<semaphore_mem>>)
    %dma_wait3A = arith.constant 0 : i32
    %dma_wait3A_53 = tpu.memref_slice %arg3[%dma_wait3A] : memref<100000xi32, #tpu.memory_space<hbm>> -> memref<80xi32, #tpu.memory_space<hbm>>
    %dma_wait3A_54 = arith.constant 0 : i32
    %dma_wait3A_55 = tpu.memref_slice %arg3[%dma_wait3A_54] : memref<100000xi32, #tpu.memory_space<hbm>> -> memref<80xi32, #tpu.memory_space<hbm>>
    tpu.wait_dma2 semaphore(%arg9 : memref<!tpu.dma_semaphore, #tpu.memory_space<semaphore_mem>>) src(%dma_wait3A_55 : memref<80xi32, #tpu.memory_space<hbm>>) dst(%arg7 : memref<80xi32, #tpu.memory_space<vmem>>)
    %dma_start3A_56 = arith.constant 0 : i32
    %dma_start3A_57 = arith.constant 0 : i32
    %dma_start3A_58 = tpu.memref_slice %arg2[%dma_start3A_56, %dma_start3A_57] : memref<1024x512xi32, #tpu.memory_space<hbm>> -> memref<1024x512xi32, #tpu.memory_space<hbm>>
    tpu.enqueue_indirect_dma source(%dma_start3A_58 : memref<1024x512xi32, #tpu.memory_space<hbm>>) target(%arg5 : memref<80x512xi32, #tpu.memory_space<vmem>>) offsets(%arg7 : memref<80xi32, #tpu.memory_space<vmem>>) semaphore(%arg11 : memref<!tpu.dma_semaphore, #tpu.memory_space<semaphore_mem>>)
    %add3A_59 = arith.constant 1 : i32
    %add3A_60 = arith.addi %select_n3A, %add3A_59 : i32
    %mul3A_61 = arith.constant 80 : i32
    %mul3A_62 = arith.muli %add3A_60, %mul3A_61 : i32
    %dma_start3A_63 = tpu.memref_slice %arg3[%mul3A_62] : memref<100000xi32, #tpu.memory_space<hbm>> -> memref<80xi32, #tpu.memory_space<hbm>>
    %dma_start3A_64 = tpu.memref_slice %arg3[%mul3A_62] : memref<100000xi32, #tpu.memory_space<hbm>> -> memref<80xi32, #tpu.memory_space<hbm>>
    tpu.enqueue_dma source(%dma_start3A_64 : memref<80xi32, #tpu.memory_space<hbm>>) target(%arg8 : memref<80xi32, #tpu.memory_space<vmem>>) target_semaphore(%arg10 : memref<!tpu.dma_semaphore, #tpu.memory_space<semaphore_mem>>)
    %add3A_65 = arith.constant 1 : i32
    %add3A_66 = arith.addi %sub3A_47, %add3A_65 : i32
    %jit3A_67 = arith.constant 2 : i32
    %div3A_68 = arith.divsi %add3A_66, %jit3A_67 : i32
    %sign3A_69 = arith.constant 0 : i32
    %sign3A_70 = arith.cmpi sgt, %add3A_66, %sign3A_69 : i32
    %sign3A_71 = arith.extui %sign3A_70 : i1 to i32
    %sign3A_72 = arith.constant 0 : i32
    %sign3A_73 = arith.cmpi slt, %add3A_66, %sign3A_72 : i32
    %sign3A_74 = arith.extui %sign3A_73 : i1 to i32
    %sign3A_75 = arith.subi %sign3A_71, %sign3A_74 : i32
    %sign3A_76 = arith.constant 0 : i32
    %sign3A_77 = arith.cmpi sgt, %jit3A_67, %sign3A_76 : i32
    %sign3A_78 = arith.extui %sign3A_77 : i1 to i32
    %sign3A_79 = arith.constant 0 : i32
    %sign3A_80 = arith.cmpi slt, %jit3A_67, %sign3A_79 : i32
    %sign3A_81 = arith.extui %sign3A_80 : i1 to i32
    %sign3A_82 = arith.subi %sign3A_78, %sign3A_81 : i32
    %ne3A_83 = arith.cmpi ne, %sign3A_75, %sign3A_82 : i32
    %rem3A_84 = arith.remsi %add3A_66, %jit3A_67 : i32
    %ne3A_85 = arith.constant 0 : i32
    %ne3A_86 = arith.cmpi ne, %rem3A_84, %ne3A_85 : i32
    %and3A_87 = arith.andi %ne3A_83, %ne3A_86 : i1
    %sub3A_88 = arith.constant 1 : i32
    %sub3A_89 = arith.subi %div3A_68, %sub3A_88 : i32
    %select_n3A_90 = arith.select %and3A_87, %sub3A_89, %div3A_68 : i32
    %while3A = arith.constant 0 : i32
    %while3A_91 = arith.constant 0 : i32
    %while3A_92 = arith.subi %select_n3A_90, %while3A_91 : i32
    %while3A_93 = arith.addi %while3A_91, %while3A_92 : i32
    %while3A_94 = arith.constant 1 : i32
    %while3A_95 = arith.divsi %while3A_92, %while3A_94 : i32
    %while3A_96 = arith.muli %while3A_95, %while3A_94 : i32
    %while3A_97 = arith.addi %while3A_91, %while3A_96 : i32
    %while3A_98 = arith.constant 1 : i32
    scf.for %while3A_100 = %while3A_91 to %while3A_97 step %while3A_98  : i32 {
      %mul3A_101 = arith.constant 2 : i32
      %mul3A_102 = arith.muli %mul3A_101, %while3A_100 : i32
      %add3A_103 = arith.constant 1 : i32
      %add3A_104 = arith.addi %mul3A_102, %add3A_103 : i32
      %dma_wait3A_105 = arith.constant 0 : i32
      %dma_wait3A_106 = arith.constant 0 : i32
      %dma_wait3A_107 = tpu.memref_slice %arg2[%dma_wait3A_105, %dma_wait3A_106] : memref<1024x512xi32, #tpu.memory_space<hbm>> -> memref<80x512xi32, #tpu.memory_space<hbm>>
      %dma_wait3A_108 = arith.constant 0 : i32
      %dma_wait3A_109 = arith.constant 0 : i32
      %dma_wait3A_110 = tpu.memref_slice %arg2[%dma_wait3A_108, %dma_wait3A_109] : memref<1024x512xi32, #tpu.memory_space<hbm>> -> memref<80x512xi32, #tpu.memory_space<hbm>>
      tpu.wait_dma2 semaphore(%arg11 : memref<!tpu.dma_semaphore, #tpu.memory_space<semaphore_mem>>) src(%dma_wait3A_110 : memref<80x512xi32, #tpu.memory_space<hbm>>) dst(%arg5 : memref<80x512xi32, #tpu.memory_space<vmem>>)
      %lt3A = arith.cmpi slt, %add3A_104, %sub3A_47 : i32
      %convert_element_type3A = arith.extui %lt3A : i1 to i32
      %cond3A = arith.constant 0 : i32
      %cond3A_111 = arith.cmpi ne, %convert_element_type3A, %cond3A : i32
      scf.if %cond3A_111 {
        %dma_wait3A_143 = arith.constant 0 : i32
        %dma_wait3A_144 = tpu.memref_slice %arg3[%dma_wait3A_143] : memref<100000xi32, #tpu.memory_space<hbm>> -> memref<80xi32, #tpu.memory_space<hbm>>
        %dma_wait3A_145 = arith.constant 0 : i32
        %dma_wait3A_146 = tpu.memref_slice %arg3[%dma_wait3A_145] : memref<100000xi32, #tpu.memory_space<hbm>> -> memref<80xi32, #tpu.memory_space<hbm>>
        tpu.wait_dma2 semaphore(%arg10 : memref<!tpu.dma_semaphore, #tpu.memory_space<semaphore_mem>>) src(%dma_wait3A_146 : memref<80xi32, #tpu.memory_space<hbm>>) dst(%arg8 : memref<80xi32, #tpu.memory_space<vmem>>)
        %dma_start3A_147 = arith.constant 0 : i32
        %dma_start3A_148 = arith.constant 0 : i32
        %dma_start3A_149 = tpu.memref_slice %arg2[%dma_start3A_147, %dma_start3A_148] : memref<1024x512xi32, #tpu.memory_space<hbm>> -> memref<1024x512xi32, #tpu.memory_space<hbm>>
        tpu.enqueue_indirect_dma source(%dma_start3A_149 : memref<1024x512xi32, #tpu.memory_space<hbm>>) target(%arg6 : memref<80x512xi32, #tpu.memory_space<vmem>>) offsets(%arg8 : memref<80xi32, #tpu.memory_space<vmem>>) semaphore(%arg12 : memref<!tpu.dma_semaphore, #tpu.memory_space<semaphore_mem>>)
      } else {
      }
      %add3A_112 = arith.addi %select_n3A, %mul3A_102 : i32
      %mul3A_113 = arith.constant 80 : i32
      %mul3A_114 = arith.muli %add3A_112, %mul3A_113 : i32
      %dma_start3A_115 = arith.constant 0 : i32
      %dma_start3A_116 = tpu.memref_slice %arg4[%mul3A_114, %dma_start3A_115] : memref<100000x512xi32, #tpu.memory_space<hbm>> -> memref<80x512xi32, #tpu.memory_space<hbm>>
      %dma_start3A_117 = arith.constant 0 : i32
      %dma_start3A_118 = tpu.memref_slice %arg4[%mul3A_114, %dma_start3A_117] : memref<100000x512xi32, #tpu.memory_space<hbm>> -> memref<80x512xi32, #tpu.memory_space<hbm>>
      tpu.enqueue_dma source(%arg5 : memref<80x512xi32, #tpu.memory_space<vmem>>) target(%dma_start3A_118 : memref<80x512xi32, #tpu.memory_space<hbm>>) target_semaphore(%arg13 : memref<!tpu.dma_semaphore, #tpu.memory_space<semaphore_mem>>)
      %add3A_119 = arith.constant 2 : i32
      %add3A_120 = arith.addi %mul3A_102, %add3A_119 : i32
      %lt3A_121 = arith.cmpi slt, %add3A_120, %sub3A_47 : i32
      %convert_element_type3A_122 = arith.extui %lt3A_121 : i1 to i32
      %cond3A_123 = arith.constant 0 : i32
      %cond3A_124 = arith.cmpi ne, %convert_element_type3A_122, %cond3A_123 : i32
      scf.if %cond3A_124 {
        %add3A_143 = arith.constant 2 : i32
        %add3A_144 = arith.addi %mul3A_102, %add3A_143 : i32
        %add3A_145 = arith.addi %select_n3A, %add3A_144 : i32
        %mul3A_146 = arith.constant 80 : i32
        %mul3A_147 = arith.muli %add3A_145, %mul3A_146 : i32
        %dma_start3A_148 = tpu.memref_slice %arg3[%mul3A_147] : memref<100000xi32, #tpu.memory_space<hbm>> -> memref<80xi32, #tpu.memory_space<hbm>>
        %dma_start3A_149 = tpu.memref_slice %arg3[%mul3A_147] : memref<100000xi32, #tpu.memory_space<hbm>> -> memref<80xi32, #tpu.memory_space<hbm>>
        tpu.enqueue_dma source(%dma_start3A_149 : memref<80xi32, #tpu.memory_space<hbm>>) target(%arg7 : memref<80xi32, #tpu.memory_space<vmem>>) target_semaphore(%arg9 : memref<!tpu.dma_semaphore, #tpu.memory_space<semaphore_mem>>)
      } else {
      }
      %lt3A_125 = arith.cmpi slt, %add3A_104, %sub3A_47 : i32
      %convert_element_type3A_126 = arith.extui %lt3A_125 : i1 to i32
      %cond3A_127 = arith.constant 0 : i32
      %cond3A_128 = arith.cmpi ne, %convert_element_type3A_126, %cond3A_127 : i32
      scf.if %cond3A_128 {
        %dma_wait3A_143 = arith.constant 0 : i32
        %dma_wait3A_144 = arith.constant 0 : i32
        %dma_wait3A_145 = tpu.memref_slice %arg2[%dma_wait3A_143, %dma_wait3A_144] : memref<1024x512xi32, #tpu.memory_space<hbm>> -> memref<80x512xi32, #tpu.memory_space<hbm>>
        %dma_wait3A_146 = arith.constant 0 : i32
        %dma_wait3A_147 = arith.constant 0 : i32
        %dma_wait3A_148 = tpu.memref_slice %arg2[%dma_wait3A_146, %dma_wait3A_147] : memref<1024x512xi32, #tpu.memory_space<hbm>> -> memref<80x512xi32, #tpu.memory_space<hbm>>
        tpu.wait_dma2 semaphore(%arg12 : memref<!tpu.dma_semaphore, #tpu.memory_space<semaphore_mem>>) src(%dma_wait3A_148 : memref<80x512xi32, #tpu.memory_space<hbm>>) dst(%arg6 : memref<80x512xi32, #tpu.memory_space<vmem>>)
      } else {
      }
      %dma_wait3A_129 = arith.constant 0 : i32
      %dma_wait3A_130 = tpu.memref_slice %arg4[%mul3A_114, %dma_wait3A_129] : memref<100000x512xi32, #tpu.memory_space<hbm>> -> memref<80x512xi32, #tpu.memory_space<hbm>>
      %dma_wait3A_131 = arith.constant 0 : i32
      %dma_wait3A_132 = tpu.memref_slice %arg4[%mul3A_114, %dma_wait3A_131] : memref<100000x512xi32, #tpu.memory_space<hbm>> -> memref<80x512xi32, #tpu.memory_space<hbm>>
      tpu.wait_dma2 semaphore(%arg13 : memref<!tpu.dma_semaphore, #tpu.memory_space<semaphore_mem>>) src(%arg5 : memref<80x512xi32, #tpu.memory_space<vmem>>) dst(%dma_wait3A_132 : memref<80x512xi32, #tpu.memory_space<hbm>>)
      %add3A_133 = arith.constant 2 : i32
      %add3A_134 = arith.addi %mul3A_102, %add3A_133 : i32
      %lt3A_135 = arith.cmpi slt, %add3A_134, %sub3A_47 : i32
      %convert_element_type3A_136 = arith.extui %lt3A_135 : i1 to i32
      %cond3A_137 = arith.constant 0 : i32
      %cond3A_138 = arith.cmpi ne, %convert_element_type3A_136, %cond3A_137 : i32
      scf.if %cond3A_138 {
        %dma_wait3A_143 = arith.constant 0 : i32
        %dma_wait3A_144 = tpu.memref_slice %arg3[%dma_wait3A_143] : memref<100000xi32, #tpu.memory_space<hbm>> -> memref<80xi32, #tpu.memory_space<hbm>>
        %dma_wait3A_145 = arith.constant 0 : i32
        %dma_wait3A_146 = tpu.memref_slice %arg3[%dma_wait3A_145] : memref<100000xi32, #tpu.memory_space<hbm>> -> memref<80xi32, #tpu.memory_space<hbm>>
        tpu.wait_dma2 semaphore(%arg9 : memref<!tpu.dma_semaphore, #tpu.memory_space<semaphore_mem>>) src(%dma_wait3A_146 : memref<80xi32, #tpu.memory_space<hbm>>) dst(%arg7 : memref<80xi32, #tpu.memory_space<vmem>>)
        %dma_start3A_147 = arith.constant 0 : i32
        %dma_start3A_148 = arith.constant 0 : i32
        %dma_start3A_149 = tpu.memref_slice %arg2[%dma_start3A_147, %dma_start3A_148] : memref<1024x512xi32, #tpu.memory_space<hbm>> -> memref<1024x512xi32, #tpu.memory_space<hbm>>
        tpu.enqueue_indirect_dma source(%dma_start3A_149 : memref<1024x512xi32, #tpu.memory_space<hbm>>) target(%arg5 : memref<80x512xi32, #tpu.memory_space<vmem>>) offsets(%arg7 : memref<80xi32, #tpu.memory_space<vmem>>) semaphore(%arg11 : memref<!tpu.dma_semaphore, #tpu.memory_space<semaphore_mem>>)
      } else {
      }
      %lt3A_139 = arith.cmpi slt, %add3A_104, %sub3A_47 : i32
      %convert_element_type3A_140 = arith.extui %lt3A_139 : i1 to i32
      %cond3A_141 = arith.constant 0 : i32
      %cond3A_142 = arith.cmpi ne, %convert_element_type3A_140, %cond3A_141 : i32
      scf.if %cond3A_142 {
        %add3A_143 = arith.addi %select_n3A, %add3A_104 : i32
        %mul3A_144 = arith.constant 80 : i32
        %mul3A_145 = arith.muli %add3A_143, %mul3A_144 : i32
        %dma_start3A_146 = arith.constant 0 : i32
        %dma_start3A_147 = tpu.memref_slice %arg4[%mul3A_145, %dma_start3A_146] : memref<100000x512xi32, #tpu.memory_space<hbm>> -> memref<80x512xi32, #tpu.memory_space<hbm>>
        %dma_start3A_148 = arith.constant 0 : i32
        %dma_start3A_149 = tpu.memref_slice %arg4[%mul3A_145, %dma_start3A_148] : memref<100000x512xi32, #tpu.memory_space<hbm>> -> memref<80x512xi32, #tpu.memory_space<hbm>>
        tpu.enqueue_dma source(%arg6 : memref<80x512xi32, #tpu.memory_space<vmem>>) target(%dma_start3A_149 : memref<80x512xi32, #tpu.memory_space<hbm>>) target_semaphore(%arg14 : memref<!tpu.dma_semaphore, #tpu.memory_space<semaphore_mem>>)
        %add3A_150 = arith.constant 2 : i32
        %add3A_151 = arith.addi %add3A_104, %add3A_150 : i32
        %lt3A_152 = arith.cmpi slt, %add3A_151, %sub3A_47 : i32
        %convert_element_type3A_153 = arith.extui %lt3A_152 : i1 to i32
        %cond3A_154 = arith.constant 0 : i32
        %cond3A_155 = arith.cmpi ne, %convert_element_type3A_153, %cond3A_154 : i32
        scf.if %cond3A_155 {
          %add3A_160 = arith.constant 2 : i32
          %add3A_161 = arith.addi %add3A_104, %add3A_160 : i32
          %add3A_162 = arith.addi %select_n3A, %add3A_161 : i32
          %mul3A_163 = arith.constant 80 : i32
          %mul3A_164 = arith.muli %add3A_162, %mul3A_163 : i32
          %dma_start3A_165 = tpu.memref_slice %arg3[%mul3A_164] : memref<100000xi32, #tpu.memory_space<hbm>> -> memref<80xi32, #tpu.memory_space<hbm>>
          %dma_start3A_166 = tpu.memref_slice %arg3[%mul3A_164] : memref<100000xi32, #tpu.memory_space<hbm>> -> memref<80xi32, #tpu.memory_space<hbm>>
          tpu.enqueue_dma source(%dma_start3A_166 : memref<80xi32, #tpu.memory_space<hbm>>) target(%arg8 : memref<80xi32, #tpu.memory_space<vmem>>) target_semaphore(%arg10 : memref<!tpu.dma_semaphore, #tpu.memory_space<semaphore_mem>>)
        } else {
        }
        %dma_wait3A_156 = arith.constant 0 : i32
        %dma_wait3A_157 = tpu.memref_slice %arg4[%mul3A_145, %dma_wait3A_156] : memref<100000x512xi32, #tpu.memory_space<hbm>> -> memref<80x512xi32, #tpu.memory_space<hbm>>
        %dma_wait3A_158 = arith.constant 0 : i32
        %dma_wait3A_159 = tpu.memref_slice %arg4[%mul3A_145, %dma_wait3A_158] : memref<100000x512xi32, #tpu.memory_space<hbm>> -> memref<80x512xi32, #tpu.memory_space<hbm>>
        tpu.wait_dma2 semaphore(%arg14 : memref<!tpu.dma_semaphore, #tpu.memory_space<semaphore_mem>>) src(%arg6 : memref<80x512xi32, #tpu.memory_space<vmem>>) dst(%dma_wait3A_159 : memref<80x512xi32, #tpu.memory_space<hbm>>)
      } else {
      }
    }
    %while3A_99 = arith.constant 1 : i32
    scf.for %while3A_100 = %while3A_97 to %while3A_93 step %while3A_99  : i32 {
      %mul3A_101 = arith.constant 2 : i32
      %mul3A_102 = arith.muli %mul3A_101, %while3A_100 : i32
      %add3A_103 = arith.constant 1 : i32
      %add3A_104 = arith.addi %mul3A_102, %add3A_103 : i32
      %dma_wait3A_105 = arith.constant 0 : i32
      %dma_wait3A_106 = arith.constant 0 : i32
      %dma_wait3A_107 = tpu.memref_slice %arg2[%dma_wait3A_105, %dma_wait3A_106] : memref<1024x512xi32, #tpu.memory_space<hbm>> -> memref<80x512xi32, #tpu.memory_space<hbm>>
      %dma_wait3A_108 = arith.constant 0 : i32
      %dma_wait3A_109 = arith.constant 0 : i32
      %dma_wait3A_110 = tpu.memref_slice %arg2[%dma_wait3A_108, %dma_wait3A_109] : memref<1024x512xi32, #tpu.memory_space<hbm>> -> memref<80x512xi32, #tpu.memory_space<hbm>>
      tpu.wait_dma2 semaphore(%arg11 : memref<!tpu.dma_semaphore, #tpu.memory_space<semaphore_mem>>) src(%dma_wait3A_110 : memref<80x512xi32, #tpu.memory_space<hbm>>) dst(%arg5 : memref<80x512xi32, #tpu.memory_space<vmem>>)
      %lt3A = arith.cmpi slt, %add3A_104, %sub3A_47 : i32
      %convert_element_type3A = arith.extui %lt3A : i1 to i32
      %cond3A = arith.constant 0 : i32
      %cond3A_111 = arith.cmpi ne, %convert_element_type3A, %cond3A : i32
      scf.if %cond3A_111 {
        %dma_wait3A_143 = arith.constant 0 : i32
        %dma_wait3A_144 = tpu.memref_slice %arg3[%dma_wait3A_143] : memref<100000xi32, #tpu.memory_space<hbm>> -> memref<80xi32, #tpu.memory_space<hbm>>
        %dma_wait3A_145 = arith.constant 0 : i32
        %dma_wait3A_146 = tpu.memref_slice %arg3[%dma_wait3A_145] : memref<100000xi32, #tpu.memory_space<hbm>> -> memref<80xi32, #tpu.memory_space<hbm>>
        tpu.wait_dma2 semaphore(%arg10 : memref<!tpu.dma_semaphore, #tpu.memory_space<semaphore_mem>>) src(%dma_wait3A_146 : memref<80xi32, #tpu.memory_space<hbm>>) dst(%arg8 : memref<80xi32, #tpu.memory_space<vmem>>)
        %dma_start3A_147 = arith.constant 0 : i32
        %dma_start3A_148 = arith.constant 0 : i32
        %dma_start3A_149 = tpu.memref_slice %arg2[%dma_start3A_147, %dma_start3A_148] : memref<1024x512xi32, #tpu.memory_space<hbm>> -> memref<1024x512xi32, #tpu.memory_space<hbm>>
        tpu.enqueue_indirect_dma source(%dma_start3A_149 : memref<1024x512xi32, #tpu.memory_space<hbm>>) target(%arg6 : memref<80x512xi32, #tpu.memory_space<vmem>>) offsets(%arg8 : memref<80xi32, #tpu.memory_space<vmem>>) semaphore(%arg12 : memref<!tpu.dma_semaphore, #tpu.memory_space<semaphore_mem>>)
      } else {
      }
      %add3A_112 = arith.addi %select_n3A, %mul3A_102 : i32
      %mul3A_113 = arith.constant 80 : i32
      %mul3A_114 = arith.muli %add3A_112, %mul3A_113 : i32
      %dma_start3A_115 = arith.constant 0 : i32
      %dma_start3A_116 = tpu.memref_slice %arg4[%mul3A_114, %dma_start3A_115] : memref<100000x512xi32, #tpu.memory_space<hbm>> -> memref<80x512xi32, #tpu.memory_space<hbm>>
      %dma_start3A_117 = arith.constant 0 : i32
      %dma_start3A_118 = tpu.memref_slice %arg4[%mul3A_114, %dma_start3A_117] : memref<100000x512xi32, #tpu.memory_space<hbm>> -> memref<80x512xi32, #tpu.memory_space<hbm>>
      tpu.enqueue_dma source(%arg5 : memref<80x512xi32, #tpu.memory_space<vmem>>) target(%dma_start3A_118 : memref<80x512xi32, #tpu.memory_space<hbm>>) target_semaphore(%arg13 : memref<!tpu.dma_semaphore, #tpu.memory_space<semaphore_mem>>)
      %add3A_119 = arith.constant 2 : i32
      %add3A_120 = arith.addi %mul3A_102, %add3A_119 : i32
      %lt3A_121 = arith.cmpi slt, %add3A_120, %sub3A_47 : i32
      %convert_element_type3A_122 = arith.extui %lt3A_121 : i1 to i32
      %cond3A_123 = arith.constant 0 : i32
      %cond3A_124 = arith.cmpi ne, %convert_element_type3A_122, %cond3A_123 : i32
      scf.if %cond3A_124 {
        %add3A_143 = arith.constant 2 : i32
        %add3A_144 = arith.addi %mul3A_102, %add3A_143 : i32
        %add3A_145 = arith.addi %select_n3A, %add3A_144 : i32
        %mul3A_146 = arith.constant 80 : i32
        %mul3A_147 = arith.muli %add3A_145, %mul3A_146 : i32
        %dma_start3A_148 = tpu.memref_slice %arg3[%mul3A_147] : memref<100000xi32, #tpu.memory_space<hbm>> -> memref<80xi32, #tpu.memory_space<hbm>>
        %dma_start3A_149 = tpu.memref_slice %arg3[%mul3A_147] : memref<100000xi32, #tpu.memory_space<hbm>> -> memref<80xi32, #tpu.memory_space<hbm>>
        tpu.enqueue_dma source(%dma_start3A_149 : memref<80xi32, #tpu.memory_space<hbm>>) target(%arg7 : memref<80xi32, #tpu.memory_space<vmem>>) target_semaphore(%arg9 : memref<!tpu.dma_semaphore, #tpu.memory_space<semaphore_mem>>)
      } else {
      }
      %lt3A_125 = arith.cmpi slt, %add3A_104, %sub3A_47 : i32
      %convert_element_type3A_126 = arith.extui %lt3A_125 : i1 to i32
      %cond3A_127 = arith.constant 0 : i32
      %cond3A_128 = arith.cmpi ne, %convert_element_type3A_126, %cond3A_127 : i32
      scf.if %cond3A_128 {
        %dma_wait3A_143 = arith.constant 0 : i32
        %dma_wait3A_144 = arith.constant 0 : i32
        %dma_wait3A_145 = tpu.memref_slice %arg2[%dma_wait3A_143, %dma_wait3A_144] : memref<1024x512xi32, #tpu.memory_space<hbm>> -> memref<80x512xi32, #tpu.memory_space<hbm>>
        %dma_wait3A_146 = arith.constant 0 : i32
        %dma_wait3A_147 = arith.constant 0 : i32
        %dma_wait3A_148 = tpu.memref_slice %arg2[%dma_wait3A_146, %dma_wait3A_147] : memref<1024x512xi32, #tpu.memory_space<hbm>> -> memref<80x512xi32, #tpu.memory_space<hbm>>
        tpu.wait_dma2 semaphore(%arg12 : memref<!tpu.dma_semaphore, #tpu.memory_space<semaphore_mem>>) src(%dma_wait3A_148 : memref<80x512xi32, #tpu.memory_space<hbm>>) dst(%arg6 : memref<80x512xi32, #tpu.memory_space<vmem>>)
      } else {
      }
      %dma_wait3A_129 = arith.constant 0 : i32
      %dma_wait3A_130 = tpu.memref_slice %arg4[%mul3A_114, %dma_wait3A_129] : memref<100000x512xi32, #tpu.memory_space<hbm>> -> memref<80x512xi32, #tpu.memory_space<hbm>>
      %dma_wait3A_131 = arith.constant 0 : i32
      %dma_wait3A_132 = tpu.memref_slice %arg4[%mul3A_114, %dma_wait3A_131] : memref<100000x512xi32, #tpu.memory_space<hbm>> -> memref<80x512xi32, #tpu.memory_space<hbm>>
      tpu.wait_dma2 semaphore(%arg13 : memref<!tpu.dma_semaphore, #tpu.memory_space<semaphore_mem>>) src(%arg5 : memref<80x512xi32, #tpu.memory_space<vmem>>) dst(%dma_wait3A_132 : memref<80x512xi32, #tpu.memory_space<hbm>>)
      %add3A_133 = arith.constant 2 : i32
      %add3A_134 = arith.addi %mul3A_102, %add3A_133 : i32
      %lt3A_135 = arith.cmpi slt, %add3A_134, %sub3A_47 : i32
      %convert_element_type3A_136 = arith.extui %lt3A_135 : i1 to i32
      %cond3A_137 = arith.constant 0 : i32
      %cond3A_138 = arith.cmpi ne, %convert_element_type3A_136, %cond3A_137 : i32
      scf.if %cond3A_138 {
        %dma_wait3A_143 = arith.constant 0 : i32
        %dma_wait3A_144 = tpu.memref_slice %arg3[%dma_wait3A_143] : memref<100000xi32, #tpu.memory_space<hbm>> -> memref<80xi32, #tpu.memory_space<hbm>>
        %dma_wait3A_145 = arith.constant 0 : i32
        %dma_wait3A_146 = tpu.memref_slice %arg3[%dma_wait3A_145] : memref<100000xi32, #tpu.memory_space<hbm>> -> memref<80xi32, #tpu.memory_space<hbm>>
        tpu.wait_dma2 semaphore(%arg9 : memref<!tpu.dma_semaphore, #tpu.memory_space<semaphore_mem>>) src(%dma_wait3A_146 : memref<80xi32, #tpu.memory_space<hbm>>) dst(%arg7 : memref<80xi32, #tpu.memory_space<vmem>>)
        %dma_start3A_147 = arith.constant 0 : i32
        %dma_start3A_148 = arith.constant 0 : i32
        %dma_start3A_149 = tpu.memref_slice %arg2[%dma_start3A_147, %dma_start3A_148] : memref<1024x512xi32, #tpu.memory_space<hbm>> -> memref<1024x512xi32, #tpu.memory_space<hbm>>
        tpu.enqueue_indirect_dma source(%dma_start3A_149 : memref<1024x512xi32, #tpu.memory_space<hbm>>) target(%arg5 : memref<80x512xi32, #tpu.memory_space<vmem>>) offsets(%arg7 : memref<80xi32, #tpu.memory_space<vmem>>) semaphore(%arg11 : memref<!tpu.dma_semaphore, #tpu.memory_space<semaphore_mem>>)
      } else {
      }
      %lt3A_139 = arith.cmpi slt, %add3A_104, %sub3A_47 : i32
      %convert_element_type3A_140 = arith.extui %lt3A_139 : i1 to i32
      %cond3A_141 = arith.constant 0 : i32
      %cond3A_142 = arith.cmpi ne, %convert_element_type3A_140, %cond3A_141 : i32
      scf.if %cond3A_142 {
        %add3A_143 = arith.addi %select_n3A, %add3A_104 : i32
        %mul3A_144 = arith.constant 80 : i32
        %mul3A_145 = arith.muli %add3A_143, %mul3A_144 : i32
        %dma_start3A_146 = arith.constant 0 : i32
        %dma_start3A_147 = tpu.memref_slice %arg4[%mul3A_145, %dma_start3A_146] : memref<100000x512xi32, #tpu.memory_space<hbm>> -> memref<80x512xi32, #tpu.memory_space<hbm>>
        %dma_start3A_148 = arith.constant 0 : i32
        %dma_start3A_149 = tpu.memref_slice %arg4[%mul3A_145, %dma_start3A_148] : memref<100000x512xi32, #tpu.memory_space<hbm>> -> memref<80x512xi32, #tpu.memory_space<hbm>>
        tpu.enqueue_dma source(%arg6 : memref<80x512xi32, #tpu.memory_space<vmem>>) target(%dma_start3A_149 : memref<80x512xi32, #tpu.memory_space<hbm>>) target_semaphore(%arg14 : memref<!tpu.dma_semaphore, #tpu.memory_space<semaphore_mem>>)
        %add3A_150 = arith.constant 2 : i32
        %add3A_151 = arith.addi %add3A_104, %add3A_150 : i32
        %lt3A_152 = arith.cmpi slt, %add3A_151, %sub3A_47 : i32
        %convert_element_type3A_153 = arith.extui %lt3A_152 : i1 to i32
        %cond3A_154 = arith.constant 0 : i32
        %cond3A_155 = arith.cmpi ne, %convert_element_type3A_153, %cond3A_154 : i32
        scf.if %cond3A_155 {
          %add3A_160 = arith.constant 2 : i32
          %add3A_161 = arith.addi %add3A_104, %add3A_160 : i32
          %add3A_162 = arith.addi %select_n3A, %add3A_161 : i32
          %mul3A_163 = arith.constant 80 : i32
          %mul3A_164 = arith.muli %add3A_162, %mul3A_163 : i32
          %dma_start3A_165 = tpu.memref_slice %arg3[%mul3A_164] : memref<100000xi32, #tpu.memory_space<hbm>> -> memref<80xi32, #tpu.memory_space<hbm>>
          %dma_start3A_166 = tpu.memref_slice %arg3[%mul3A_164] : memref<100000xi32, #tpu.memory_space<hbm>> -> memref<80xi32, #tpu.memory_space<hbm>>
          tpu.enqueue_dma source(%dma_start3A_166 : memref<80xi32, #tpu.memory_space<hbm>>) target(%arg8 : memref<80xi32, #tpu.memory_space<vmem>>) target_semaphore(%arg10 : memref<!tpu.dma_semaphore, #tpu.memory_space<semaphore_mem>>)
        } else {
        }
        %dma_wait3A_156 = arith.constant 0 : i32
        %dma_wait3A_157 = tpu.memref_slice %arg4[%mul3A_145, %dma_wait3A_156] : memref<100000x512xi32, #tpu.memory_space<hbm>> -> memref<80x512xi32, #tpu.memory_space<hbm>>
        %dma_wait3A_158 = arith.constant 0 : i32
        %dma_wait3A_159 = tpu.memref_slice %arg4[%mul3A_145, %dma_wait3A_158] : memref<100000x512xi32, #tpu.memory_space<hbm>> -> memref<80x512xi32, #tpu.memory_space<hbm>>
        tpu.wait_dma2 semaphore(%arg14 : memref<!tpu.dma_semaphore, #tpu.memory_space<semaphore_mem>>) src(%arg6 : memref<80x512xi32, #tpu.memory_space<vmem>>) dst(%dma_wait3A_159 : memref<80x512xi32, #tpu.memory_space<hbm>>)
      } else {
      }
    }
    return
  }
}

module attributes {stable_mosaic.version = 14 : i64} {
  func.func @_pool_body(%arg0: i32, %arg1: memref<2000x512xf32, #tpu.memory_space<vmem>>, %arg2: memref<1x1x2000xi32, #tpu.memory_space<vmem>>, %arg3: memref<1024x512xf32, #tpu.memory_space<vmem>>, %arg4: memref<1024x8xf32, #tpu.memory_space<vmem>>) attributes {dimension_semantics = [#tpu.dimension_semantics<arbitrary>], iteration_bounds = array<i64: 50>, scalar_prefetch = 0 : i64, scratch_operands = 0 : i64, tpu.core_type = #tpu.core_type<tc>, window_params = [{transform_indices = @transform_0, window_bounds = array<i64: 2000, 512>}, {transform_indices = @transform_1, window_bounds = array<i64: 1, 1, 2000>}, {pipeline_mode = #tpu.pipeline_mode<synchronous>, transform_indices = @transform_2, window_bounds = array<i64: 1024, 512>}, {pipeline_mode = #tpu.pipeline_mode<synchronous>, transform_indices = @transform_3, window_bounds = array<i64: 1024, 8>}]} {
    %get3A = arith.constant 0 : index
    %get3A_0 = arith.constant 0 : index
    %get3A_1 = vector.load %arg1[%get3A, %get3A_0] : memref<2000x512xf32, #tpu.memory_space<vmem>>, vector<2000x512xf32>
    %convert_element_type3A = arith.truncf %get3A_1 : vector<2000x512xf32> to vector<2000x512xbf16>
    %get3A_2 = arith.constant 0 : index
    %get3A_3 = arith.constant 0 : index
    %get3A_4 = arith.constant 0 : index
    %get3A_5 = vector.load %arg2[%get3A_2, %get3A_3, %get3A_4] : memref<1x1x2000xi32, #tpu.memory_space<vmem>>, vector<1x1x2000xi32>
    %get3A_6 = vector.shape_cast %get3A_5 : vector<1x1x2000xi32> to vector<1x2000xi32>
    %iota3A = tpu.iota {dimensions = array<i32: 0>} : vector<1024x2000xi32>
    %broadcast_in_dim3A = vector.shape_cast %get3A_6 : vector<1x2000xi32> to vector<1x2000xi32>
    %broadcast_in_dim3A_7 = vector.broadcast %broadcast_in_dim3A : vector<1x2000xi32> to vector<1024x2000xi32>
    %eq3A = arith.cmpi eq, %iota3A, %broadcast_in_dim3A_7 : vector<1024x2000xi32>
    %convert_element_type3A_8 = arith.extui %eq3A : vector<1024x2000xi1> to vector<1024x2000xi32>
    %convert_element_type3A_9 = arith.sitofp %convert_element_type3A_8 : vector<1024x2000xi32> to vector<1024x2000xf32>
    %convert_element_type3A_10 = arith.truncf %convert_element_type3A_9 : vector<1024x2000xf32> to vector<1024x2000xbf16>
    %dot_general3A = arith.constant dense<0.000000e+00> : vector<1024x512xf32>
    %dot_general3A_11 = tpu.matmul %convert_element_type3A_10, %convert_element_type3A, %dot_general3A {dimension_numbers = #tpu.dot_dimension_numbers<[1], [0], [0], [1], [0, 0, 1, 1], [], []>, transpose_lhs_hint = false} : vector<1024x2000xbf16>, vector<2000x512xbf16>, vector<1024x512xf32> -> vector<1024x512xf32>
    %broadcast_in_dim3A_12 = arith.constant 1.000000e+00 : bf16
    %broadcast_in_dim3A_13 = vector.broadcast %broadcast_in_dim3A_12 : bf16 to vector<2000x8xbf16>
    %dot_general3A_14 = arith.constant dense<0.000000e+00> : vector<1024x8xf32>
    %dot_general3A_15 = tpu.matmul %convert_element_type3A_10, %broadcast_in_dim3A_13, %dot_general3A_14 {dimension_numbers = #tpu.dot_dimension_numbers<[1], [0], [0], [1], [0, 0, 1, 1], [], []>, transpose_lhs_hint = false} : vector<1024x2000xbf16>, vector<2000x8xbf16>, vector<1024x8xf32> -> vector<1024x8xf32>
    %eq3A_16 = arith.constant 0 : i32
    %eq3A_17 = arith.cmpi eq, %arg0, %eq3A_16 : i32
    %convert_element_type3A_18 = arith.extui %eq3A_17 : i1 to i32
    %cond3A = arith.constant 0 : i32
    %cond3A_19 = arith.cmpi ne, %convert_element_type3A_18, %cond3A : i32
    scf.if %cond3A_19 {
      %swap3A = arith.constant 0 : index
      %swap3A_24 = arith.constant 0 : index
      %swap3A_25 = vector.load %arg3[%swap3A, %swap3A_24] : memref<1024x512xf32, #tpu.memory_space<vmem>>, vector<1024x512xf32>
      tpu.vector_store %arg3[%swap3A, %swap3A_24], %dot_general3A_11 {strides = array<i32>} : memref<1024x512xf32, #tpu.memory_space<vmem>>, vector<1024x512xf32>,
      %swap3A_26 = arith.constant 0 : index
      %swap3A_27 = arith.constant 0 : index
      %swap3A_28 = vector.load %arg4[%swap3A_26, %swap3A_27] : memref<1024x8xf32, #tpu.memory_space<vmem>>, vector<1024x8xf32>
      tpu.vector_store %arg4[%swap3A_26, %swap3A_27], %dot_general3A_15 {strides = array<i32>} : memref<1024x8xf32, #tpu.memory_space<vmem>>, vector<1024x8xf32>,
    } else {
    }
    %ne3A = arith.constant 0 : i32
    %ne3A_20 = arith.cmpi ne, %arg0, %ne3A : i32
    %convert_element_type3A_21 = arith.extui %ne3A_20 : i1 to i32
    %cond3A_22 = arith.constant 0 : i32
    %cond3A_23 = arith.cmpi ne, %convert_element_type3A_21, %cond3A_22 : i32
    scf.if %cond3A_23 {
      %get3A_24 = arith.constant 0 : index
      %get3A_25 = arith.constant 0 : index
      %get3A_26 = vector.load %arg3[%get3A_24, %get3A_25] : memref<1024x512xf32, #tpu.memory_space<vmem>>, vector<1024x512xf32>
      %add3A = arith.addf %get3A_26, %dot_general3A_11 : vector<1024x512xf32>
      %swap3A = arith.constant 0 : index
      %swap3A_27 = arith.constant 0 : index
      %swap3A_28 = vector.load %arg3[%swap3A, %swap3A_27] : memref<1024x512xf32, #tpu.memory_space<vmem>>, vector<1024x512xf32>
      tpu.vector_store %arg3[%swap3A, %swap3A_27], %add3A {strides = array<i32>} : memref<1024x512xf32, #tpu.memory_space<vmem>>, vector<1024x512xf32>,
      %get3A_29 = arith.constant 0 : index
      %get3A_30 = arith.constant 0 : index
      %get3A_31 = vector.load %arg4[%get3A_29, %get3A_30] : memref<1024x8xf32, #tpu.memory_space<vmem>>, vector<1024x8xf32>
      %add3A_32 = arith.addf %get3A_31, %dot_general3A_15 : vector<1024x8xf32>
      %swap3A_33 = arith.constant 0 : index
      %swap3A_34 = arith.constant 0 : index
      %swap3A_35 = vector.load %arg4[%swap3A_33, %swap3A_34] : memref<1024x8xf32, #tpu.memory_space<vmem>>, vector<1024x8xf32>
      tpu.vector_store %arg4[%swap3A_33, %swap3A_34], %add3A_32 {strides = array<i32>} : memref<1024x8xf32, #tpu.memory_space<vmem>>, vector<1024x8xf32>,
    } else {
    }
    return
  }
  func.func @transform_0(%arg0: i32) -> (i32, i32) {
    %c0_i32 = arith.constant 0 : i32
    %c0_i32_0 = arith.constant 0 : i32
    return %arg0, %c0_i32 : i32, i32
  }
  func.func @transform_1(%arg0: i32) -> (i32, i32, i32) {
    %c0_i32 = arith.constant 0 : i32
    %c0_i32_0 = arith.constant 0 : i32
    %c0_i32_1 = arith.constant 0 : i32
    return %arg0, %c0_i32, %c0_i32_0 : i32, i32, i32
  }
  func.func @transform_2(%arg0: i32) -> (i32, i32) {
    %c0_i32 = arith.constant 0 : i32
    %c0_i32_0 = arith.constant 0 : i32
    %c0_i32_1 = arith.constant 0 : i32
    return %c0_i32, %c0_i32_0 : i32, i32
  }
  func.func @transform_3(%arg0: i32) -> (i32, i32) {
    %c0_i32 = arith.constant 0 : i32
    %c0_i32_0 = arith.constant 0 : i32
    %c0_i32_1 = arith.constant 0 : i32
    return %c0_i32, %c0_i32_0 : i32, i32
  }
}

module attributes {stable_mosaic.version = 14 : i64} {
  func.func @_tables_body(%arg0: memref<1024x512xf32, #tpu.memory_space<vmem>>, %arg1: memref<1024x8xf32, #tpu.memory_space<vmem>>, %arg2: memref<256x1024xf32, #tpu.memory_space<vmem>>, %arg3: memref<256x1024xf32, #tpu.memory_space<vmem>>, %arg4: memref<1x1024xf32, #tpu.memory_space<vmem>>, %arg5: memref<1024x512xi32, #tpu.memory_space<vmem>>, %arg6: memref<1024x1024xbf16, #tpu.memory_space<vmem>>) attributes {dimension_semantics = [], scalar_prefetch = 0 : i64, scratch_operands = 0 : i64, tpu.core_type = #tpu.core_type<tc>} {
    %get3A = arith.constant 0 : index
    %get3A_0 = arith.constant 0 : index
    %get3A_1 = vector.load %arg0[%get3A, %get3A_0] : memref<1024x512xf32, #tpu.memory_space<vmem>>, vector<1000x512xf32>
    %get3A_2 = arith.constant 0 : index
    %get3A_3 = arith.constant 0 : index
    %get3A_4 = vector.load %arg1[%get3A_2, %get3A_3] : memref<1024x8xf32, #tpu.memory_space<vmem>>, vector<1000x1xf32>
    %max3A = arith.constant 1.000000e+00 : f32
    %max3A_5 = vector.broadcast %max3A : f32 to vector<1000x1xf32>
    %max3A_6 = arith.maximumf %get3A_4, %max3A_5 : vector<1000x1xf32>
    %div3A = vector.broadcast %max3A_6 : vector<1000x1xf32> to vector<1000x512xf32>
    %div3A_7 = arith.divf %get3A_1, %div3A : vector<1000x512xf32>
    %slice3A = vector.extract_strided_slice %div3A_7 {offsets = [0, 0], sizes = [1000, 256], strides = [1, 1]} : vector<1000x512xf32> to vector<1000x256xf32>
    %slice3A_8 = vector.extract_strided_slice %div3A_7 {offsets = [0, 256], sizes = [1000, 256], strides = [1, 1]} : vector<1000x512xf32> to vector<1000x256xf32>
    %get3A_9 = arith.constant 0 : index
    %get3A_10 = arith.constant 0 : index
    %get3A_11 = vector.load %arg2[%get3A_9, %get3A_10] : memref<256x1024xf32, #tpu.memory_space<vmem>>, vector<256x1024xf32>
    %dot_general3A = arith.constant dense<0.000000e+00> : vector<1000x1024xf32>
    %dot_general3A_12 = tpu.matmul %slice3A, %get3A_11, %dot_general3A {dimension_numbers = #tpu.dot_dimension_numbers<[1], [0], [0], [1], [0, 0, 1, 1], [], []>, transpose_lhs_hint = false} : vector<1000x256xf32>, vector<256x1024xf32>, vector<1000x1024xf32> -> vector<1000x1024xf32>
    %get3A_13 = arith.constant 0 : index
    %get3A_14 = arith.constant 0 : index
    %get3A_15 = vector.load %arg4[%get3A_13, %get3A_14] : memref<1x1024xf32, #tpu.memory_space<vmem>>, vector<1x1024xf32>
    %add3A = vector.broadcast %get3A_15 : vector<1x1024xf32> to vector<1000x1024xf32>
    %add3A_16 = arith.addf %dot_general3A_12, %add3A : vector<1000x1024xf32>
    %get3A_17 = arith.constant 0 : index
    %get3A_18 = arith.constant 0 : index
    %get3A_19 = vector.load %arg3[%get3A_17, %get3A_18] : memref<256x1024xf32, #tpu.memory_space<vmem>>, vector<256x1024xf32>
    %dot_general3A_20 = arith.constant dense<0.000000e+00> : vector<1000x1024xf32>
    %dot_general3A_21 = tpu.matmul %slice3A_8, %get3A_19, %dot_general3A_20 {dimension_numbers = #tpu.dot_dimension_numbers<[1], [0], [0], [1], [0, 0, 1, 1], [], []>, transpose_lhs_hint = false} : vector<1000x256xf32>, vector<256x1024xf32>, vector<1000x1024xf32> -> vector<1000x1024xf32>
    %slice3A_22 = vector.extract_strided_slice %dot_general3A_21 {offsets = [0, 0], sizes = [1000, 512], strides = [1, 1]} : vector<1000x1024xf32> to vector<1000x512xf32>
    %slice3A_23 = vector.extract_strided_slice %dot_general3A_21 {offsets = [0, 512], sizes = [1000, 512], strides = [1, 1]} : vector<1000x1024xf32> to vector<1000x512xf32>
    %convert_element_type3A = arith.truncf %slice3A_22 : vector<1000x512xf32> to vector<1000x512xbf16>
    %convert_element_type3A_24 = arith.extf %convert_element_type3A : vector<1000x512xbf16> to vector<1000x512xf32>
    %bitcast_convert_type3A = tpu.bitcast %convert_element_type3A_24 : vector<1000x512xf32> -> vector<1000x512xi32>
    %shift_right_logical3A = arith.constant 16 : i32
    %shift_right_logical3A_25 = vector.broadcast %shift_right_logical3A : i32 to vector<1000x512xi32>
    %shift_right_logical3A_26 = arith.shrui %bitcast_convert_type3A, %shift_right_logical3A_25 : vector<1000x512xi32>
    %convert_element_type3A_27 = arith.truncf %slice3A_23 : vector<1000x512xf32> to vector<1000x512xbf16>
    %convert_element_type3A_28 = arith.extf %convert_element_type3A_27 : vector<1000x512xbf16> to vector<1000x512xf32>
    %bitcast_convert_type3A_29 = tpu.bitcast %convert_element_type3A_28 : vector<1000x512xf32> -> vector<1000x512xi32>
    %shift_right_logical3A_30 = arith.constant 16 : i32
    %shift_right_logical3A_31 = vector.broadcast %shift_right_logical3A_30 : i32 to vector<1000x512xi32>
    %shift_right_logical3A_32 = arith.shrui %bitcast_convert_type3A_29, %shift_right_logical3A_31 : vector<1000x512xi32>
    %shift_left3A = arith.constant 16 : i32
    %shift_left3A_33 = vector.broadcast %shift_left3A : i32 to vector<1000x512xi32>
    %shift_left3A_34 = arith.shli %shift_right_logical3A_32, %shift_left3A_33 : vector<1000x512xi32>
    %or3A = arith.ori %shift_left3A_34, %shift_right_logical3A_26 : vector<1000x512xi32>
    %bitcast_convert_type3A_35 = tpu.bitcast %or3A : vector<1000x512xi32> -> vector<1000x512xi32>
    %swap3A = arith.constant 0 : index
    %swap3A_36 = arith.constant 0 : index
    %swap3A_37 = vector.load %arg5[%swap3A, %swap3A_36] : memref<1024x512xi32, #tpu.memory_space<vmem>>, vector<1000x512xi32>
    tpu.vector_store %arg5[%swap3A, %swap3A_36], %bitcast_convert_type3A_35 {strides = array<i32>} : memref<1024x512xi32, #tpu.memory_space<vmem>>, vector<1000x512xi32>,
    %convert_element_type3A_38 = arith.truncf %add3A_16 : vector<1000x1024xf32> to vector<1000x1024xbf16>
    %swap3A_39 = arith.constant 0 : index
    %swap3A_40 = arith.constant 0 : index
    %swap3A_41 = vector.load %arg6[%swap3A_39, %swap3A_40] : memref<1024x1024xbf16, #tpu.memory_space<vmem>>, vector<1000x1024xbf16>
    tpu.vector_store %arg6[%swap3A_39, %swap3A_40], %convert_element_type3A_38 {strides = array<i32>} : memref<1024x1024xbf16, #tpu.memory_space<vmem>>, vector<1000x1024xbf16>,
    %broadcast_in_dim3A = arith.constant 0.000000e+00 : bf16
    %broadcast_in_dim3A_42 = vector.broadcast %broadcast_in_dim3A : bf16 to vector<24x1024xbf16>
    %swap3A_43 = arith.constant 1000 : index
    %swap3A_44 = arith.constant 0 : index
    %swap3A_45 = vector.load %arg6[%swap3A_43, %swap3A_44] : memref<1024x1024xbf16, #tpu.memory_space<vmem>>, vector<24x1024xbf16>
    tpu.vector_store %arg6[%swap3A_43, %swap3A_44], %broadcast_in_dim3A_42 {strides = array<i32>} : memref<1024x1024xbf16, #tpu.memory_space<vmem>>, vector<24x1024xbf16>,
    return
  }
}

module attributes {stable_mosaic.version = 14 : i64} {
  func.func @_h0a_body(%arg0: i32, %arg1: memref<2000x512xf32, #tpu.memory_space<vmem>>, %arg2: memref<2000x128xf32, #tpu.memory_space<vmem>>, %arg3: memref<2000x128xf32, #tpu.memory_space<vmem>>, %arg4: memref<1x1x2000xi32, #tpu.memory_space<vmem>>, %arg5: memref<512x1024xbf16, #tpu.memory_space<vmem>>, %arg6: memref<128x512xbf16, #tpu.memory_space<vmem>>, %arg7: memref<128x512xbf16, #tpu.memory_space<vmem>>, %arg8: memref<1024x1024xbf16, #tpu.memory_space<vmem>>, %arg9: memref<2000x1024xbf16, #tpu.memory_space<vmem>>) attributes {dimension_semantics = [#tpu.dimension_semantics<arbitrary>], iteration_bounds = array<i64: 50>, scalar_prefetch = 0 : i64, scratch_operands = 0 : i64, tpu.core_type = #tpu.core_type<tc>, window_params = [{transform_indices = @transform_0, window_bounds = array<i64: 2000, 512>}, {transform_indices = @transform_1, window_bounds = array<i64: 2000, 128>}, {transform_indices = @transform_2, window_bounds = array<i64: 2000, 128>}, {transform_indices = @transform_3, window_bounds = array<i64: 1, 1, 2000>}, {pipeline_mode = #tpu.pipeline_mode<synchronous>, transform_indices = @transform_4, window_bounds = array<i64: 512, 1024>}, {pipeline_mode = #tpu.pipeline_mode<synchronous>, transform_indices = @transform_5, window_bounds = array<i64: 128, 512>}, {pipeline_mode = #tpu.pipeline_mode<synchronous>, transform_indices = @transform_6, window_bounds = array<i64: 128, 512>}, {pipeline_mode = #tpu.pipeline_mode<synchronous>, transform_indices = @transform_7, window_bounds = array<i64: 1024, 1024>}, {transform_indices = @transform_8, window_bounds = array<i64: 2000, 1024>}]} {
    %get3A = arith.constant 0 : index
    %get3A_0 = arith.constant 0 : index
    %get3A_1 = vector.load %arg1[%get3A, %get3A_0] : memref<2000x512xf32, #tpu.memory_space<vmem>>, vector<2000x512xf32>
    %convert_element_type3A = arith.truncf %get3A_1 : vector<2000x512xf32> to vector<2000x512xbf16>
    %get3A_2 = arith.constant 0 : index
    %get3A_3 = arith.constant 0 : index
    %get3A_4 = vector.load %arg5[%get3A_2, %get3A_3] : memref<512x1024xbf16, #tpu.memory_space<vmem>>, vector<512x1024xbf16>
    %dot_general3A = arith.constant dense<0.000000e+00> : vector<2000x1024xf32>
    %dot_general3A_5 = tpu.matmul %convert_element_type3A, %get3A_4, %dot_general3A {dimension_numbers = #tpu.dot_dimension_numbers<[1], [0], [0], [1], [0, 0, 1, 1], [], []>, transpose_lhs_hint = false} : vector<2000x512xbf16>, vector<512x1024xbf16>, vector<2000x1024xf32> -> vector<2000x1024xf32>
    %get3A_6 = arith.constant 0 : index
    %get3A_7 = arith.constant 0 : index
    %get3A_8 = vector.load %arg2[%get3A_6, %get3A_7] : memref<2000x128xf32, #tpu.memory_space<vmem>>, vector<2000x128xf32>
    %convert_element_type3A_9 = arith.truncf %get3A_8 : vector<2000x128xf32> to vector<2000x128xbf16>
    %get3A_10 = arith.constant 0 : index
    %get3A_11 = arith.constant 0 : index
    %get3A_12 = vector.load %arg6[%get3A_10, %get3A_11] : memref<128x512xbf16, #tpu.memory_space<vmem>>, vector<128x512xbf16>
    %dot_general3A_13 = arith.constant dense<0.000000e+00> : vector<2000x512xf32>
    %dot_general3A_14 = tpu.matmul %convert_element_type3A_9, %get3A_12, %dot_general3A_13 {dimension_numbers = #tpu.dot_dimension_numbers<[1], [0], [0], [1], [0, 0, 1, 1], [], []>, transpose_lhs_hint = false} : vector<2000x128xbf16>, vector<128x512xbf16>, vector<2000x512xf32> -> vector<2000x512xf32>
    %get3A_15 = arith.constant 0 : index
    %get3A_16 = arith.constant 0 : index
    %get3A_17 = vector.load %arg3[%get3A_15, %get3A_16] : memref<2000x128xf32, #tpu.memory_space<vmem>>, vector<2000x128xf32>
    %convert_element_type3A_18 = arith.truncf %get3A_17 : vector<2000x128xf32> to vector<2000x128xbf16>
    %get3A_19 = arith.constant 0 : index
    %get3A_20 = arith.constant 0 : index
    %get3A_21 = vector.load %arg7[%get3A_19, %get3A_20] : memref<128x512xbf16, #tpu.memory_space<vmem>>, vector<128x512xbf16>
    %dot_general3A_22 = arith.constant dense<0.000000e+00> : vector<2000x512xf32>
    %dot_general3A_23 = tpu.matmul %convert_element_type3A_18, %get3A_21, %dot_general3A_22 {dimension_numbers = #tpu.dot_dimension_numbers<[1], [0], [0], [1], [0, 0, 1, 1], [], []>, transpose_lhs_hint = false} : vector<2000x128xbf16>, vector<128x512xbf16>, vector<2000x512xf32> -> vector<2000x512xf32>
    %get3A_24 = arith.constant 0 : index
    %get3A_25 = arith.constant 0 : index
    %get3A_26 = arith.constant 0 : index
    %get3A_27 = vector.load %arg4[%get3A_24, %get3A_25, %get3A_26] : memref<1x1x2000xi32, #tpu.memory_space<vmem>>, vector<1x1x2000xi32>
    %get3A_28 = vector.shape_cast %get3A_27 : vector<1x1x2000xi32> to vector<1x2000xi32>
    %iota3A = tpu.iota {dimensions = array<i32: 0>} : vector<1024x2000xi32>
    %broadcast_in_dim3A = vector.shape_cast %get3A_28 : vector<1x2000xi32> to vector<1x2000xi32>
    %broadcast_in_dim3A_29 = vector.broadcast %broadcast_in_dim3A : vector<1x2000xi32> to vector<1024x2000xi32>
    %eq3A = arith.cmpi eq, %iota3A, %broadcast_in_dim3A_29 : vector<1024x2000xi32>
    %convert_element_type3A_30 = arith.extui %eq3A : vector<1024x2000xi1> to vector<1024x2000xi32>
    %convert_element_type3A_31 = arith.sitofp %convert_element_type3A_30 : vector<1024x2000xi32> to vector<1024x2000xf32>
    %convert_element_type3A_32 = arith.truncf %convert_element_type3A_31 : vector<1024x2000xf32> to vector<1024x2000xbf16>
    %get3A_33 = arith.constant 0 : index
    %get3A_34 = arith.constant 0 : index
    %get3A_35 = vector.load %arg8[%get3A_33, %get3A_34] : memref<1024x1024xbf16, #tpu.memory_space<vmem>>, vector<1024x1024xbf16>
    %dot_general3A_36 = arith.constant dense<0.000000e+00> : vector<2000x1024xf32>
    %dot_general3A_37 = tpu.matmul %convert_element_type3A_32, %get3A_35, %dot_general3A_36 {dimension_numbers = #tpu.dot_dimension_numbers<[0], [0], [1], [1], [0, 1, 1, 1], [], []>, transpose_lhs_hint = false} : vector<1024x2000xbf16>, vector<1024x1024xbf16>, vector<2000x1024xf32> -> vector<2000x1024xf32>
    %add3A = arith.addf %dot_general3A_5, %dot_general3A_37 : vector<2000x1024xf32>
    %concatenate3A = tpu.concatenate %dot_general3A_14, %dot_general3A_23 in 1 : vector<2000x512xf32>, vector<2000x512xf32> -> vector<2000x1024xf32>
    %add3A_38 = arith.addf %add3A, %concatenate3A : vector<2000x1024xf32>
    %convert_element_type3A_39 = arith.truncf %add3A_38 : vector<2000x1024xf32> to vector<2000x1024xbf16>
    %swap3A = arith.constant 0 : index
    %swap3A_40 = arith.constant 0 : index
    %swap3A_41 = vector.load %arg9[%swap3A, %swap3A_40] : memref<2000x1024xbf16, #tpu.memory_space<vmem>>, vector<2000x1024xbf16>
    tpu.vector_store %arg9[%swap3A, %swap3A_40], %convert_element_type3A_39 {strides = array<i32>} : memref<2000x1024xbf16, #tpu.memory_space<vmem>>, vector<2000x1024xbf16>,
    return
  }
  func.func @transform_0(%arg0: i32) -> (i32, i32) {
    %c0_i32 = arith.constant 0 : i32
    %c0_i32_0 = arith.constant 0 : i32
    return %arg0, %c0_i32 : i32, i32
  }
  func.func @transform_1(%arg0: i32) -> (i32, i32) {
    %c0_i32 = arith.constant 0 : i32
    %c0_i32_0 = arith.constant 0 : i32
    return %arg0, %c0_i32 : i32, i32
  }
  func.func @transform_2(%arg0: i32) -> (i32, i32) {
    %c0_i32 = arith.constant 0 : i32
    %c0_i32_0 = arith.constant 0 : i32
    return %arg0, %c0_i32 : i32, i32
  }
  func.func @transform_3(%arg0: i32) -> (i32, i32, i32) {
    %c0_i32 = arith.constant 0 : i32
    %c0_i32_0 = arith.constant 0 : i32
    %c0_i32_1 = arith.constant 0 : i32
    return %arg0, %c0_i32, %c0_i32_0 : i32, i32, i32
  }
  func.func @transform_4(%arg0: i32) -> (i32, i32) {
    %c0_i32 = arith.constant 0 : i32
    %c0_i32_0 = arith.constant 0 : i32
    %c0_i32_1 = arith.constant 0 : i32
    return %c0_i32, %c0_i32_0 : i32, i32
  }
  func.func @transform_5(%arg0: i32) -> (i32, i32) {
    %c0_i32 = arith.constant 0 : i32
    %c0_i32_0 = arith.constant 0 : i32
    %c0_i32_1 = arith.constant 0 : i32
    return %c0_i32, %c0_i32_0 : i32, i32
  }
  func.func @transform_6(%arg0: i32) -> (i32, i32) {
    %c0_i32 = arith.constant 0 : i32
    %c0_i32_0 = arith.constant 0 : i32
    %c0_i32_1 = arith.constant 0 : i32
    return %c0_i32, %c0_i32_0 : i32, i32
  }
  func.func @transform_7(%arg0: i32) -> (i32, i32) {
    %c0_i32 = arith.constant 0 : i32
    %c0_i32_0 = arith.constant 0 : i32
    %c0_i32_1 = arith.constant 0 : i32
    return %c0_i32, %c0_i32_0 : i32, i32
  }
  func.func @transform_8(%arg0: i32) -> (i32, i32) {
    %c0_i32 = arith.constant 0 : i32
    %c0_i32_0 = arith.constant 0 : i32
    return %arg0, %c0_i32 : i32, i32
  }
}

module attributes {stable_mosaic.version = 14 : i64} {
  func.func @_stats1_body(%arg0: i32, %arg1: memref<2000x1024xbf16, #tpu.memory_space<vmem>>, %arg2: memref<2000x512xi32, #tpu.memory_space<vmem>>, %arg3: memref<2x1024xf32, #tpu.memory_space<vmem>>) attributes {dimension_semantics = [#tpu.dimension_semantics<arbitrary>], iteration_bounds = array<i64: 50>, scalar_prefetch = 0 : i64, scratch_operands = 0 : i64, tpu.core_type = #tpu.core_type<tc>, window_params = [{transform_indices = @transform_0, window_bounds = array<i64: 2000, 1024>}, {transform_indices = @transform_1, window_bounds = array<i64: 2000, 512>}, {pipeline_mode = #tpu.pipeline_mode<synchronous>, transform_indices = @transform_2, window_bounds = array<i64: 2, 1024>}]} {
    %get3A = arith.constant 0 : index
    %get3A_0 = arith.constant 0 : index
    %get3A_1 = vector.load %arg2[%get3A, %get3A_0] : memref<2000x512xi32, #tpu.memory_space<vmem>>, vector<2000x512xi32>
    %bitcast_convert_type3A = tpu.bitcast %get3A_1 : vector<2000x512xi32> -> vector<2000x512xi32>
    %shift_left3A = arith.constant 16 : i32
    %shift_left3A_2 = vector.broadcast %shift_left3A : i32 to vector<2000x512xi32>
    %shift_left3A_3 = arith.shli %bitcast_convert_type3A, %shift_left3A_2 : vector<2000x512xi32>
    %bitcast_convert_type3A_4 = tpu.bitcast %shift_left3A_3 : vector<2000x512xi32> -> vector<2000x512xf32>
    %and3A = arith.constant -65536 : i32
    %and3A_5 = vector.broadcast %and3A : i32 to vector<2000x512xi32>
    %and3A_6 = arith.andi %bitcast_convert_type3A, %and3A_5 : vector<2000x512xi32>
    %bitcast_convert_type3A_7 = tpu.bitcast %and3A_6 : vector<2000x512xi32> -> vector<2000x512xf32>
    %get3A_8 = arith.constant 0 : index
    %get3A_9 = arith.constant 0 : index
    %get3A_10 = vector.load %arg1[%get3A_8, %get3A_9] : memref<2000x1024xbf16, #tpu.memory_space<vmem>>, vector<2000x1024xbf16>
    %convert_element_type3A = arith.extf %get3A_10 : vector<2000x1024xbf16> to vector<2000x1024xf32>
    %concatenate3A = tpu.concatenate %bitcast_convert_type3A_4, %bitcast_convert_type3A_7 in 1 : vector<2000x512xf32>, vector<2000x512xf32> -> vector<2000x1024xf32>
    %add3A = arith.addf %convert_element_type3A, %concatenate3A : vector<2000x1024xf32>
    %reduce_sum3A = arith.constant dense<0.000000e+00> : vector<1024xf32>
    %reduce_sum3A_11 = vector.multi_reduction <add>, %add3A, %reduce_sum3A [0] : vector<2000x1024xf32> to vector<1024xf32>
    %broadcast_in_dim3A = vector.shape_cast %reduce_sum3A_11 : vector<1024xf32> to vector<1x1024xf32>
    %mul3A = arith.mulf %add3A, %add3A : vector<2000x1024xf32>
    %reduce_sum3A_12 = arith.constant dense<0.000000e+00> : vector<1024xf32>
    %reduce_sum3A_13 = vector.multi_reduction <add>, %mul3A, %reduce_sum3A_12 [0] : vector<2000x1024xf32> to vector<1024xf32>
    %broadcast_in_dim3A_14 = vector.shape_cast %reduce_sum3A_13 : vector<1024xf32> to vector<1x1024xf32>
    %concatenate3A_15 = tpu.concatenate %broadcast_in_dim3A, %broadcast_in_dim3A_14 in 0 : vector<1x1024xf32>, vector<1x1024xf32> -> vector<2x1024xf32>
    %eq3A = arith.constant 0 : i32
    %eq3A_16 = arith.cmpi eq, %arg0, %eq3A : i32
    %convert_element_type3A_17 = arith.extui %eq3A_16 : i1 to i32
    %cond3A = arith.constant 0 : i32
    %cond3A_18 = arith.cmpi ne, %convert_element_type3A_17, %cond3A : i32
    scf.if %cond3A_18 {
      %swap3A = arith.constant 0 : index
      %swap3A_23 = arith.constant 0 : index
      %swap3A_24 = vector.load %arg3[%swap3A, %swap3A_23] : memref<2x1024xf32, #tpu.memory_space<vmem>>, vector<2x1024xf32>
      tpu.vector_store %arg3[%swap3A, %swap3A_23], %concatenate3A_15 {strides = array<i32>} : memref<2x1024xf32, #tpu.memory_space<vmem>>, vector<2x1024xf32>,
    } else {
    }
    %ne3A = arith.constant 0 : i32
    %ne3A_19 = arith.cmpi ne, %arg0, %ne3A : i32
    %convert_element_type3A_20 = arith.extui %ne3A_19 : i1 to i32
    %cond3A_21 = arith.constant 0 : i32
    %cond3A_22 = arith.cmpi ne, %convert_element_type3A_20, %cond3A_21 : i32
    scf.if %cond3A_22 {
      %get3A_23 = arith.constant 0 : index
      %get3A_24 = arith.constant 0 : index
      %get3A_25 = vector.load %arg3[%get3A_23, %get3A_24] : memref<2x1024xf32, #tpu.memory_space<vmem>>, vector<2x1024xf32>
      %add3A_26 = arith.addf %get3A_25, %concatenate3A_15 : vector<2x1024xf32>
      %swap3A = arith.constant 0 : index
      %swap3A_27 = arith.constant 0 : index
      %swap3A_28 = vector.load %arg3[%swap3A, %swap3A_27] : memref<2x1024xf32, #tpu.memory_space<vmem>>, vector<2x1024xf32>
      tpu.vector_store %arg3[%swap3A, %swap3A_27], %add3A_26 {strides = array<i32>} : memref<2x1024xf32, #tpu.memory_space<vmem>>, vector<2x1024xf32>,
    } else {
    }
    return
  }
  func.func @transform_0(%arg0: i32) -> (i32, i32) {
    %c0_i32 = arith.constant 0 : i32
    %c0_i32_0 = arith.constant 0 : i32
    return %arg0, %c0_i32 : i32, i32
  }
  func.func @transform_1(%arg0: i32) -> (i32, i32) {
    %c0_i32 = arith.constant 0 : i32
    %c0_i32_0 = arith.constant 0 : i32
    return %arg0, %c0_i32 : i32, i32
  }
  func.func @transform_2(%arg0: i32) -> (i32, i32) {
    %c0_i32 = arith.constant 0 : i32
    %c0_i32_0 = arith.constant 0 : i32
    %c0_i32_1 = arith.constant 0 : i32
    return %c0_i32, %c0_i32_0 : i32, i32
  }
}

module attributes {stable_mosaic.version = 14 : i64} {
  func.func @_layer2_body(%arg0: i32, %arg1: memref<2000x1024xbf16, #tpu.memory_space<vmem>>, %arg2: memref<2000x512xi32, #tpu.memory_space<vmem>>, %arg3: memref<2x1024xf32, #tpu.memory_space<vmem>>, %arg4: memref<1x1024xf32, #tpu.memory_space<vmem>>, %arg5: memref<1x1024xf32, #tpu.memory_space<vmem>>, %arg6: memref<1024x512xbf16, #tpu.memory_space<vmem>>, %arg7: memref<1x512xf32, #tpu.memory_space<vmem>>, %arg8: memref<2000x512xbf16, #tpu.memory_space<vmem>>, %arg9: memref<2x512xf32, #tpu.memory_space<vmem>>) attributes {dimension_semantics = [#tpu.dimension_semantics<arbitrary>], iteration_bounds = array<i64: 50>, scalar_prefetch = 0 : i64, scratch_operands = 0 : i64, tpu.core_type = #tpu.core_type<tc>, window_params = [{transform_indices = @transform_0, window_bounds = array<i64: 2000, 1024>}, {transform_indices = @transform_1, window_bounds = array<i64: 2000, 512>}, {pipeline_mode = #tpu.pipeline_mode<synchronous>, transform_indices = @transform_2, window_bounds = array<i64: 2, 1024>}, {pipeline_mode = #tpu.pipeline_mode<synchronous>, transform_indices = @transform_3, window_bounds = array<i64: 1, 1024>}, {pipeline_mode = #tpu.pipeline_mode<synchronous>, transform_indices = @transform_4, window_bounds = array<i64: 1, 1024>}, {pipeline_mode = #tpu.pipeline_mode<synchronous>, transform_indices = @transform_5, window_bounds = array<i64: 1024, 512>}, {pipeline_mode = #tpu.pipeline_mode<synchronous>, transform_indices = @transform_6, window_bounds = array<i64: 1, 512>}, {transform_indices = @transform_7, window_bounds = array<i64: 2000, 512>}, {pipeline_mode = #tpu.pipeline_mode<synchronous>, transform_indices = @transform_8, window_bounds = array<i64: 2, 512>}]} {
    %get3A = arith.constant 0 : index
    %get3A_0 = arith.constant 0 : index
    %get3A_1 = vector.load %arg3[%get3A, %get3A_0] : memref<2x1024xf32, #tpu.memory_space<vmem>>, vector<1x1024xf32>
    %div3A = arith.constant 1.000000e+05 : f32
    %div3A_2 = vector.broadcast %div3A : f32 to vector<1x1024xf32>
    %div3A_3 = arith.divf %get3A_1, %div3A_2 : vector<1x1024xf32>
    %get3A_4 = arith.constant 1 : index
    %get3A_5 = arith.constant 0 : index
    %get3A_6 = vector.load %arg3[%get3A_4, %get3A_5] : memref<2x1024xf32, #tpu.memory_space<vmem>>, vector<1x1024xf32>
    %div3A_7 = arith.constant 1.000000e+05 : f32
    %div3A_8 = vector.broadcast %div3A_7 : f32 to vector<1x1024xf32>
    %div3A_9 = arith.divf %get3A_6, %div3A_8 : vector<1x1024xf32>
    %mul3A = arith.mulf %div3A_3, %div3A_3 : vector<1x1024xf32>
    %sub3A = arith.subf %div3A_9, %mul3A : vector<1x1024xf32>
    %add3A = arith.constant 9.99999974E-6 : f32
    %add3A_10 = vector.broadcast %add3A : f32 to vector<1x1024xf32>
    %add3A_11 = arith.addf %sub3A, %add3A_10 : vector<1x1024xf32>
    %rsqrt3A = math.rsqrt %add3A_11 : vector<1x1024xf32>
    %get3A_12 = arith.constant 0 : index
    %get3A_13 = arith.constant 0 : index
    %get3A_14 = vector.load %arg4[%get3A_12, %get3A_13] : memref<1x1024xf32, #tpu.memory_space<vmem>>, vector<1x1024xf32>
    %mul3A_15 = arith.mulf %get3A_14, %rsqrt3A : vector<1x1024xf32>
    %get3A_16 = arith.constant 0 : index
    %get3A_17 = arith.constant 0 : index
    %get3A_18 = vector.load %arg5[%get3A_16, %get3A_17] : memref<1x1024xf32, #tpu.memory_space<vmem>>, vector<1x1024xf32>
    %mul3A_19 = arith.mulf %div3A_3, %mul3A_15 : vector<1x1024xf32>
    %sub3A_20 = arith.subf %get3A_18, %mul3A_19 : vector<1x1024xf32>
    %get3A_21 = arith.constant 0 : index
    %get3A_22 = arith.constant 0 : index
    %get3A_23 = vector.load %arg2[%get3A_21, %get3A_22] : memref<2000x512xi32, #tpu.memory_space<vmem>>, vector<2000x512xi32>
    %bitcast_convert_type3A = tpu.bitcast %get3A_23 : vector<2000x512xi32> -> vector<2000x512xi32>
    %shift_left3A = arith.constant 16 : i32
    %shift_left3A_24 = vector.broadcast %shift_left3A : i32 to vector<2000x512xi32>
    %shift_left3A_25 = arith.shli %bitcast_convert_type3A, %shift_left3A_24 : vector<2000x512xi32>
    %bitcast_convert_type3A_26 = tpu.bitcast %shift_left3A_25 : vector<2000x512xi32> -> vector<2000x512xf32>
    %and3A = arith.constant -65536 : i32
    %and3A_27 = vector.broadcast %and3A : i32 to vector<2000x512xi32>
    %and3A_28 = arith.andi %bitcast_convert_type3A, %and3A_27 : vector<2000x512xi32>
    %bitcast_convert_type3A_29 = tpu.bitcast %and3A_28 : vector<2000x512xi32> -> vector<2000x512xf32>
    %get3A_30 = arith.constant 0 : index
    %get3A_31 = arith.constant 0 : index
    %get3A_32 = vector.load %arg1[%get3A_30, %get3A_31] : memref<2000x1024xbf16, #tpu.memory_space<vmem>>, vector<2000x1024xbf16>
    %convert_element_type3A = arith.extf %get3A_32 : vector<2000x1024xbf16> to vector<2000x1024xf32>
    %concatenate3A = tpu.concatenate %bitcast_convert_type3A_26, %bitcast_convert_type3A_29 in 1 : vector<2000x512xf32>, vector<2000x512xf32> -> vector<2000x1024xf32>
    %add3A_33 = arith.addf %convert_element_type3A, %concatenate3A : vector<2000x1024xf32>
    %mul3A_34 = vector.broadcast %mul3A_15 : vector<1x1024xf32> to vector<2000x1024xf32>
    %mul3A_35 = arith.mulf %add3A_33, %mul3A_34 : vector<2000x1024xf32>
    %add3A_36 = vector.broadcast %sub3A_20 : vector<1x1024xf32> to vector<2000x1024xf32>
    %add3A_37 = arith.addf %mul3A_35, %add3A_36 : vector<2000x1024xf32>
    %max3A = arith.constant 0.000000e+00 : f32
    %max3A_38 = vector.broadcast %max3A : f32 to vector<2000x1024xf32>
    %max3A_39 = arith.maximumf %add3A_37, %max3A_38 : vector<2000x1024xf32>
    %convert_element_type3A_40 = arith.truncf %max3A_39 : vector<2000x1024xf32> to vector<2000x1024xbf16>
    %get3A_41 = arith.constant 0 : index
    %get3A_42 = arith.constant 0 : index
    %get3A_43 = vector.load %arg6[%get3A_41, %get3A_42] : memref<1024x512xbf16, #tpu.memory_space<vmem>>, vector<1024x512xbf16>
    %dot_general3A = arith.constant dense<0.000000e+00> : vector<2000x512xf32>
    %dot_general3A_44 = tpu.matmul %convert_element_type3A_40, %get3A_43, %dot_general3A {dimension_numbers = #tpu.dot_dimension_numbers<[1], [0], [0], [1], [0, 0, 1, 1], [], []>, transpose_lhs_hint = false} : vector<2000x1024xbf16>, vector<1024x512xbf16>, vector<2000x512xf32> -> vector<2000x512xf32>
    %get3A_45 = arith.constant 0 : index
    %get3A_46 = arith.constant 0 : index
    %get3A_47 = vector.load %arg7[%get3A_45, %get3A_46] : memref<1x512xf32, #tpu.memory_space<vmem>>, vector<1x512xf32>
    %add3A_48 = vector.broadcast %get3A_47 : vector<1x512xf32> to vector<2000x512xf32>
    %add3A_49 = arith.addf %dot_general3A_44, %add3A_48 : vector<2000x512xf32>
    %convert_element_type3A_50 = arith.truncf %add3A_49 : vector<2000x512xf32> to vector<2000x512xbf16>
    %swap3A = arith.constant 0 : index
    %swap3A_51 = arith.constant 0 : index
    %swap3A_52 = vector.load %arg8[%swap3A, %swap3A_51] : memref<2000x512xbf16, #tpu.memory_space<vmem>>, vector<2000x512xbf16>
    tpu.vector_store %arg8[%swap3A, %swap3A_51], %convert_element_type3A_50 {strides = array<i32>} : memref<2000x512xbf16, #tpu.memory_space<vmem>>, vector<2000x512xbf16>,
    %reduce_sum3A = arith.constant dense<0.000000e+00> : vector<512xf32>
    %reduce_sum3A_53 = vector.multi_reduction <add>, %add3A_49, %reduce_sum3A [0] : vector<2000x512xf32> to vector<512xf32>
    %broadcast_in_dim3A = vector.shape_cast %reduce_sum3A_53 : vector<512xf32> to vector<1x512xf32>
    %mul3A_54 = arith.mulf %add3A_49, %add3A_49 : vector<2000x512xf32>
    %reduce_sum3A_55 = arith.constant dense<0.000000e+00> : vector<512xf32>
    %reduce_sum3A_56 = vector.multi_reduction <add>, %mul3A_54, %reduce_sum3A_55 [0] : vector<2000x512xf32> to vector<512xf32>
    %broadcast_in_dim3A_57 = vector.shape_cast %reduce_sum3A_56 : vector<512xf32> to vector<1x512xf32>
    %concatenate3A_58 = tpu.concatenate %broadcast_in_dim3A, %broadcast_in_dim3A_57 in 0 : vector<1x512xf32>, vector<1x512xf32> -> vector<2x512xf32>
    %eq3A = arith.constant 0 : i32
    %eq3A_59 = arith.cmpi eq, %arg0, %eq3A : i32
    %convert_element_type3A_60 = arith.extui %eq3A_59 : i1 to i32
    %cond3A = arith.constant 0 : i32
    %cond3A_61 = arith.cmpi ne, %convert_element_type3A_60, %cond3A : i32
    scf.if %cond3A_61 {
      %swap3A_66 = arith.constant 0 : index
      %swap3A_67 = arith.constant 0 : index
      %swap3A_68 = vector.load %arg9[%swap3A_66, %swap3A_67] : memref<2x512xf32, #tpu.memory_space<vmem>>, vector<2x512xf32>
      tpu.vector_store %arg9[%swap3A_66, %swap3A_67], %concatenate3A_58 {strides = array<i32>} : memref<2x512xf32, #tpu.memory_space<vmem>>, vector<2x512xf32>,
    } else {
    }
    %ne3A = arith.constant 0 : i32
    %ne3A_62 = arith.cmpi ne, %arg0, %ne3A : i32
    %convert_element_type3A_63 = arith.extui %ne3A_62 : i1 to i32
    %cond3A_64 = arith.constant 0 : i32
    %cond3A_65 = arith.cmpi ne, %convert_element_type3A_63, %cond3A_64 : i32
    scf.if %cond3A_65 {
      %get3A_66 = arith.constant 0 : index
      %get3A_67 = arith.constant 0 : index
      %get3A_68 = vector.load %arg9[%get3A_66, %get3A_67] : memref<2x512xf32, #tpu.memory_space<vmem>>, vector<2x512xf32>
      %add3A_69 = arith.addf %get3A_68, %concatenate3A_58 : vector<2x512xf32>
      %swap3A_70 = arith.constant 0 : index
      %swap3A_71 = arith.constant 0 : index
      %swap3A_72 = vector.load %arg9[%swap3A_70, %swap3A_71] : memref<2x512xf32, #tpu.memory_space<vmem>>, vector<2x512xf32>
      tpu.vector_store %arg9[%swap3A_70, %swap3A_71], %add3A_69 {strides = array<i32>} : memref<2x512xf32, #tpu.memory_space<vmem>>, vector<2x512xf32>,
    } else {
    }
    return
  }
  func.func @transform_0(%arg0: i32) -> (i32, i32) {
    %c0_i32 = arith.constant 0 : i32
    %c0_i32_0 = arith.constant 0 : i32
    return %arg0, %c0_i32 : i32, i32
  }
  func.func @transform_1(%arg0: i32) -> (i32, i32) {
    %c0_i32 = arith.constant 0 : i32
    %c0_i32_0 = arith.constant 0 : i32
    return %arg0, %c0_i32 : i32, i32
  }
  func.func @transform_2(%arg0: i32) -> (i32, i32) {
    %c0_i32 = arith.constant 0 : i32
    %c0_i32_0 = arith.constant 0 : i32
    %c0_i32_1 = arith.constant 0 : i32
    return %c0_i32, %c0_i32_0 : i32, i32
  }
  func.func @transform_3(%arg0: i32) -> (i32, i32) {
    %c0_i32 = arith.constant 0 : i32
    %c0_i32_0 = arith.constant 0 : i32
    %c0_i32_1 = arith.constant 0 : i32
    return %c0_i32, %c0_i32_0 : i32, i32
  }
  func.func @transform_4(%arg0: i32) -> (i32, i32) {
    %c0_i32 = arith.constant 0 : i32
    %c0_i32_0 = arith.constant 0 : i32
    %c0_i32_1 = arith.constant 0 : i32
    return %c0_i32, %c0_i32_0 : i32, i32
  }
  func.func @transform_5(%arg0: i32) -> (i32, i32) {
    %c0_i32 = arith.constant 0 : i32
    %c0_i32_0 = arith.constant 0 : i32
    %c0_i32_1 = arith.constant 0 : i32
    return %c0_i32, %c0_i32_0 : i32, i32
  }
  func.func @transform_6(%arg0: i32) -> (i32, i32) {
    %c0_i32 = arith.constant 0 : i32
    %c0_i32_0 = arith.constant 0 : i32
    %c0_i32_1 = arith.constant 0 : i32
    return %c0_i32, %c0_i32_0 : i32, i32
  }
  func.func @transform_7(%arg0: i32) -> (i32, i32) {
    %c0_i32 = arith.constant 0 : i32
    %c0_i32_0 = arith.constant 0 : i32
    return %arg0, %c0_i32 : i32, i32
  }
  func.func @transform_8(%arg0: i32) -> (i32, i32) {
    %c0_i32 = arith.constant 0 : i32
    %c0_i32_0 = arith.constant 0 : i32
    %c0_i32_1 = arith.constant 0 : i32
    return %c0_i32, %c0_i32_0 : i32, i32
  }
}

module attributes {stable_mosaic.version = 14 : i64} {
  func.func @_norm2_body(%arg0: i32, %arg1: memref<2000x512xbf16, #tpu.memory_space<vmem>>, %arg2: memref<2x512xf32, #tpu.memory_space<vmem>>, %arg3: memref<1x512xf32, #tpu.memory_space<vmem>>, %arg4: memref<1x512xf32, #tpu.memory_space<vmem>>, %arg5: memref<2000x512xf32, #tpu.memory_space<vmem>>) attributes {dimension_semantics = [#tpu.dimension_semantics<arbitrary>], iteration_bounds = array<i64: 50>, scalar_prefetch = 0 : i64, scratch_operands = 0 : i64, tpu.core_type = #tpu.core_type<tc>, window_params = [{transform_indices = @transform_0, window_bounds = array<i64: 2000, 512>}, {pipeline_mode = #tpu.pipeline_mode<synchronous>, transform_indices = @transform_1, window_bounds = array<i64: 2, 512>}, {pipeline_mode = #tpu.pipeline_mode<synchronous>, transform_indices = @transform_2, window_bounds = array<i64: 1, 512>}, {pipeline_mode = #tpu.pipeline_mode<synchronous>, transform_indices = @transform_3, window_bounds = array<i64: 1, 512>}, {transform_indices = @transform_4, window_bounds = array<i64: 2000, 512>}]} {
    %get3A = arith.constant 0 : index
    %get3A_0 = arith.constant 0 : index
    %get3A_1 = vector.load %arg2[%get3A, %get3A_0] : memref<2x512xf32, #tpu.memory_space<vmem>>, vector<1x512xf32>
    %div3A = arith.constant 1.000000e+05 : f32
    %div3A_2 = vector.broadcast %div3A : f32 to vector<1x512xf32>
    %div3A_3 = arith.divf %get3A_1, %div3A_2 : vector<1x512xf32>
    %get3A_4 = arith.constant 1 : index
    %get3A_5 = arith.constant 0 : index
    %get3A_6 = vector.load %arg2[%get3A_4, %get3A_5] : memref<2x512xf32, #tpu.memory_space<vmem>>, vector<1x512xf32>
    %div3A_7 = arith.constant 1.000000e+05 : f32
    %div3A_8 = vector.broadcast %div3A_7 : f32 to vector<1x512xf32>
    %div3A_9 = arith.divf %get3A_6, %div3A_8 : vector<1x512xf32>
    %mul3A = arith.mulf %div3A_3, %div3A_3 : vector<1x512xf32>
    %sub3A = arith.subf %div3A_9, %mul3A : vector<1x512xf32>
    %add3A = arith.constant 9.99999974E-6 : f32
    %add3A_10 = vector.broadcast %add3A : f32 to vector<1x512xf32>
    %add3A_11 = arith.addf %sub3A, %add3A_10 : vector<1x512xf32>
    %rsqrt3A = math.rsqrt %add3A_11 : vector<1x512xf32>
    %get3A_12 = arith.constant 0 : index
    %get3A_13 = arith.constant 0 : index
    %get3A_14 = vector.load %arg3[%get3A_12, %get3A_13] : memref<1x512xf32, #tpu.memory_space<vmem>>, vector<1x512xf32>
    %mul3A_15 = arith.mulf %get3A_14, %rsqrt3A : vector<1x512xf32>
    %get3A_16 = arith.constant 0 : index
    %get3A_17 = arith.constant 0 : index
    %get3A_18 = vector.load %arg4[%get3A_16, %get3A_17] : memref<1x512xf32, #tpu.memory_space<vmem>>, vector<1x512xf32>
    %mul3A_19 = arith.mulf %div3A_3, %mul3A_15 : vector<1x512xf32>
    %sub3A_20 = arith.subf %get3A_18, %mul3A_19 : vector<1x512xf32>
    %get3A_21 = arith.constant 0 : index
    %get3A_22 = arith.constant 0 : index
    %get3A_23 = vector.load %arg1[%get3A_21, %get3A_22] : memref<2000x512xbf16, #tpu.memory_space<vmem>>, vector<2000x512xbf16>
    %convert_element_type3A = arith.extf %get3A_23 : vector<2000x512xbf16> to vector<2000x512xf32>
    %mul3A_24 = vector.broadcast %mul3A_15 : vector<1x512xf32> to vector<2000x512xf32>
    %mul3A_25 = arith.mulf %convert_element_type3A, %mul3A_24 : vector<2000x512xf32>
    %add3A_26 = vector.broadcast %sub3A_20 : vector<1x512xf32> to vector<2000x512xf32>
    %add3A_27 = arith.addf %mul3A_25, %add3A_26 : vector<2000x512xf32>
    %max3A = arith.constant 0.000000e+00 : f32
    %max3A_28 = vector.broadcast %max3A : f32 to vector<2000x512xf32>
    %max3A_29 = arith.maximumf %add3A_27, %max3A_28 : vector<2000x512xf32>
    %swap3A = arith.constant 0 : index
    %swap3A_30 = arith.constant 0 : index
    %swap3A_31 = vector.load %arg5[%swap3A, %swap3A_30] : memref<2000x512xf32, #tpu.memory_space<vmem>>, vector<2000x512xf32>
    tpu.vector_store %arg5[%swap3A, %swap3A_30], %max3A_29 {strides = array<i32>} : memref<2000x512xf32, #tpu.memory_space<vmem>>, vector<2000x512xf32>,
    return
  }
  func.func @transform_0(%arg0: i32) -> (i32, i32) {
    %c0_i32 = arith.constant 0 : i32
    %c0_i32_0 = arith.constant 0 : i32
    return %arg0, %c0_i32 : i32, i32
  }
  func.func @transform_1(%arg0: i32) -> (i32, i32) {
    %c0_i32 = arith.constant 0 : i32
    %c0_i32_0 = arith.constant 0 : i32
    %c0_i32_1 = arith.constant 0 : i32
    return %c0_i32, %c0_i32_0 : i32, i32
  }
  func.func @transform_2(%arg0: i32) -> (i32, i32) {
    %c0_i32 = arith.constant 0 : i32
    %c0_i32_0 = arith.constant 0 : i32
    %c0_i32_1 = arith.constant 0 : i32
    return %c0_i32, %c0_i32_0 : i32, i32
  }
  func.func @transform_3(%arg0: i32) -> (i32, i32) {
    %c0_i32 = arith.constant 0 : i32
    %c0_i32_0 = arith.constant 0 : i32
    %c0_i32_1 = arith.constant 0 : i32
    return %c0_i32, %c0_i32_0 : i32, i32
  }
  func.func @transform_4(%arg0: i32) -> (i32, i32) {
    %c0_i32 = arith.constant 0 : i32
    %c0_i32_0 = arith.constant 0 : i32
    return %arg0, %c0_i32 : i32, i32
  }
}

</mosaic_0001>

<sc_bundles>
// kernel: kernel.9.cloned.1.call-start
scs
__scs_entry_jumppad:
0x0: {  	(pc) =	sbr.rel $0x88, $3  }
0x1: {  	(tag) =	ssettag $0x0;
	lr =	simm.s32 $0x1  }
0x2: {  	[smem:$0x3F90] =	sst lr;
	_ =	strace $0xD0000000  }
0x3: {  	_ = 	snop  }
0x4: {  	_ = 	snop  }
0x5: {  	_ = 	snop  }
0x6: {  	_ = 	snop  }
0x7: {  	_ = 	snop  }
__scs_overlays_trampoline_lowered:
0x8: {  	[smem:$0x3F9F] =	sst s0  }
0x9: {  	[smem:$0x3FA0] =	sst s1  }
0xa: {  	[smem:$0x3FA1] =	sst s2  }
0xb: {  	[smem:$0x3FA2] =	sst s3  }
0xc: {  	[smem:$0x3FA3] =	sst s4  }
0xd: {  	[smem:$0x3FA4] =	sst s5  }
0xe: {  	[smem:$0x3FA5] =	sst s6  }
0xf: {  	[smem:$0x3FA6] =	sst s7  }
0x10: {  	[smem:$0x3FA7] =	sst s8  }
0x11: {  	[smem:$0x3FA8] =	sst s9;
	s0 =	simm.s32 @!p0 $0x0  }
0x12: {  	s1 =	sld [smem:$0x3F8E];
	s0 =	simm.s32 @p0 $0x1  }
0x13: {  	[smem:$0x3FA9] =	sst s0;
	s0 =	simm.s32 @!p1 $0x0  }
0x14: {  	s2 =	sld [smem:$0x3F8D];
	s0 =	simm.s32 @p1 $0x1  }
0x15: {  	[smem:$0x3FAA] =	sst s0;
	s0 =	simm.s32 @!p2 $0x0  }
0x16: {  	s3 =	sld [smem:$0x3FDB];
	s0 =	simm.s32 @p2 $0x1  }
0x17: {  	s4 =	simm.s32 $0x1BF5;
	[smem:$0x3FAC] =	sst s0  }
0x18: {  	s0 =	sld [smem:$0x3F8F];
	_ =	swait.ge [sflag:s4], $0x0  }
0x19: {  	s7 =	sld [smem:$0x3F90]  }
0x1a: {  	s8 =	sadd.s32 $0xFFFFE003, lr  }
0x1b: {  	s9 =	sadd.s32 $0xFFFFFEF7, lr;
	s5 =	simm.s32 $0xFFFFFFFF;
	p2 =	slt.u32 s8, $0xFFFFF086  }
0x1c: {  	p1 =	slt.u32 s9, $0xF7A;
	s5 =	simm.s32 @!p2 $0x0  }
0x1d: {  	s5 =	simm.s32 @p1 $0x1;
	p0 =	seq.s32 s7, s2  }
0x1e: {  	s7 =	smul.u32 @!p0 $0xF7A, s2;
	p2 =	seq.s32 @!p0 s5, $0x0  }
0x1f: {  	s9 =	smul.u32 $0xF7A, s1;
	s8 =	simm.s32 @!p0 $0x1BF5;
	p2 =	por !p2, p0  }
0x20: {  	[sflag:s8] =	ssyncset.s32 @!p0 $0xFFFFF086;
	s6 =	sadd.s32 @!p0 s3, s7;
	s7 =	simm.s32 @!p0 $0x108  }
0x21: {  	s3 =	sadd.s32 s3, s9;
	s6 =	sadd.s32 @!p0 $0x88, s6;
	s7 =	simm.s32 @p2 $0x1082  }
0x22: {  	[simem:s7], [sflag:s8] =	dma.local @!p0 [hbm:s6], $0xF7A  }
0x23: {  	s9 =	sor.u32 $0xD0000000, s2;
	s6 =	simm.s32 $0x108;
	_ =	swait.ge @!p0 [sflag:s8], $0x0  }
0x24: {  	s3 =	sadd.s32 $0x88, s3;
	s6 =	simm.s32 @!p1 $0x1082;
	[sflag:s4] =	ssyncset.s32 $0xFFFFF086  }
0x25: {  	[simem:s6], [sflag:s4] =	dma.local [hbm:s3], $0xF7A  }
0x26: {  	[smem:$0x3F90] =	sst s1;
	(tag) =	ssettag s2;
	_ =	strace s9  }
0x27: {  	s1 =	sld [smem:$0x3FA0]  }
0x28: {  	s2 =	sld [smem:$0x3FA1]  }
0x29: {  	s4 =	sld [smem:$0x3FA3]  }
0x2a: {  	p0 =	seq.s32 s5, $0x0;
	s5 =	sld [smem:$0x3FA4]  }
0x2b: {  	s6 =	sld [smem:$0x3FA5]  }
0x2c: {  	s7 =	sld [smem:$0x3FA6]  }
0x2d: {  	s3 =	simm.s32 $0x108;
	s8 =	sld [smem:$0x3FA7]  }
0x2e: {  	s3 =	simm.s32 @!p0 $0x1082;
	s9 =	sld [smem:$0x3FA8]  }
0x2f: {  	lr =	sadd.s32 s0, s3;
	s0 =	sld [smem:$0x3F9F]  }
0x30: {  	s3 =	sld [smem:$0x3FA2]  }
0x31: {  	[smem:$0x3FAB] =	sst s10  }
0x32: {  	s10 =	sld [smem:$0x3FA9];
	_ =	sdelay $0x3  }
0x33: {  	p0 =	seq.s32 s10, $0x1;
	s10 =	sld [smem:$0x3FAB];
	_ =	sdelay $0x3  }
0x34: {  	[smem:$0x3FAB] =	sst s10  }
0x35: {  	s10 =	sld [smem:$0x3FAA];
	_ =	sdelay $0x3  }
0x36: {  	p1 =	seq.s32 s10, $0x1;
	s10 =	sld [smem:$0x3FAB];
	_ =	sdelay $0x3  }
0x37: {  	[smem:$0x3FAB] =	sst s10  }
0x38: {  	s10 =	sld [smem:$0x3FAC]  }
0x39: {  	_ = 	snop;
	(pc) =	sbr.ind lr, $3  }
0x3a: {  	_ = 	snop  }
0x3b: {  	_ = 	snop  }
0x3c: {  	p2 =	seq.s32 s10, $0x1;
	s10 =	sld [smem:$0x3FAB]  }
0x3d: {  	_ =	shalt  }
0x3e: {  	_ =	shalt  }
0x3f: {  	_ =	shalt  }
0x40: {  	_ =	shalt  }
0x41: {  	_ =	shalt  }
0x42: {  	_ =	shalt  }
0x43: {  	_ =	shalt  }
0x44: {  	_ =	shalt  }
0x45: {  	_ =	shalt  }
0x46: {  	_ =	shalt  }
0x47: {  	_ =	shalt  }
0x48: {  	_ =	shalt  }
0x49: {  	_ =	shalt  }
0x4a: {  	_ =	shalt  }
0x4b: {  	_ =	shalt  }
0x4c: {  	_ =	shalt  }
0x4d: {  	_ =	shalt  }
0x4e: {  	_ =	shalt  }
0x4f: {  	_ =	shalt  }
0x50: {  	_ =	shalt  }
0x51: {  	_ =	shalt  }
0x52: {  	_ =	shalt  }
0x53: {  	_ =	shalt  }
0x54: {  	_ =	shalt  }
0x55: {  	_ =	shalt  }
0x56: {  	_ =	shalt  }
0x57: {  	_ =	shalt  }
0x58: {  	_ =	shalt  }
0x59: {  	_ =	shalt  }
0x5a: {  	_ =	shalt  }
0x5b: {  	_ =	shalt  }
0x5c: {  	_ =	shalt  }
0x5d: {  	_ =	shalt  }
0x5e: {  	_ =	shalt  }
0x5f: {  	_ =	shalt  }
0x60: {  	_ =	shalt  }
0x61: {  	_ =	shalt  }
0x62: {  	_ =	shalt  }
0x63: {  	_ =	shalt  }
0x64: {  	_ =	shalt  }
0x65: {  	_ =	shalt  }
0x66: {  	_ =	shalt  }
0x67: {  	_ =	shalt  }
0x68: {  	_ =	shalt  }
0x69: {  	_ =	shalt  }
0x6a: {  	_ =	shalt  }
0x6b: {  	_ =	shalt  }
0x6c: {  	_ =	shalt  }
0x6d: {  	_ =	shalt  }
0x6e: {  	_ =	shalt  }
0x6f: {  	_ =	shalt  }
0x70: {  	_ =	shalt  }
0x71: {  	_ =	shalt  }
0x72: {  	_ =	shalt  }
0x73: {  	_ =	shalt  }
0x74: {  	_ =	shalt  }
0x75: {  	_ =	shalt  }
0x76: {  	_ =	shalt  }
0x77: {  	_ =	shalt  }
0x78: {  	_ =	shalt  }
0x79: {  	_ =	shalt  }
0x7a: {  	_ =	shalt  }
0x7b: {  	_ =	shalt  }
0x7c: {  	_ =	shalt  }
0x7d: {  	_ =	shalt  }
0x7e: {  	_ =	shalt  }
0x7f: {  	_ =	shalt  }
0x80: {  	_ =	shalt  }
0x81: {  	_ =	shalt  }
0x82: {  	_ =	shalt  }
0x83: {  	_ =	shalt  }
0x84: {  	_ =	shalt  }
0x85: {  	_ =	shalt  }
0x86: {  	_ =	shalt  }
0x87: {  	_ =	shalt  }
.Lfunc_end0:
.L_simem_size_0:
called_computation_lowered:
.L_overlay_start_0:
0x88: {  	s2 =	sld [smem:$0x3FD9]  }
0x89: {  	s3 =	sld [smem:$0x3FFE];
	_ =	sdelay $0x1  }
0x8a: {  	s1 =	srdreg.scid  }
0x8b: {  	s0 =	sand.u32 $0x1, s1  }
0x8c: {  	s17 =	sshll.u32 s0, $0xA;
	s2 =	sadd.s32 s3, s2  }
0x8d: {  	s2 =	sadd.s32 s2, s17  }
0x8e: {  	[smem:$0x3FB7] =	sst s2  }
0x8f: {  	_ = 	snop  }
0x90: {  	s2 =	sld [smem:$0x3FC5];
	(tm) =	ssettm $0x1  }
0x91: {  	s18 =	sld [smem:$0x3FFB];
	_ =	sdelay $0x3  }
0x92: {  	_ =	strace s18  }
0x93: {  	s3 =	sld [smem:$0x3FFC];
	_ =	sdelay $0x3  }
0x94: {  	_ =	strace s3  }
0x95: {  	s3 =	sld [smem:$0x3FFD];
	_ =	sdelay $0x3  }
0x96: {  	_ =	strace s3  }
0x97: {  	_ =	strace $0x8FFFFFFF  }
0x98: {  	s19 =	sld [smem:$0x3FDB];
	_ =	sdelay $0x1  }
0x99: {  	s4 =	simm.s32 $_scs_section_size  }
0x9a: {  	s5 =	simm.s32 $_size__tile_overlayer_lowered;
	s6 =	simm.s32 $_tile_overlayer_lowered  }
0x9b: {  	s22 =	simm.s32 $0x1BFF;
	s21 =	sshll.u32 s6, $0x1;
	s3 =	sadd.s32 s4, s19  }
0x9c: {  	s7 =	simm.s32 $0x0;
	s20 =	sshll.u32 s5, $0x1;
	s5 =	sadd.s32 s21, s3  }
0x9d: {  	[timem:s7], [sflag:s22] =	dma.local [hbm:s5], s20  }
0x9e: {  	_ =	swait.ge [sflag:s22], s20  }
0x9f: {  	s4 =	ssub.s32 $0x0, s20;
	[sflag:s22] =	ssyncset.done $0x0  }
0xa0: {  	[sflag:s22] =	ssyncadd.s32 s4;
	_ =	sdelay $0x1  }
0xa1: {  	s23 =	simm.s32 $0x1B8B  }
0xa2: {  	_ =	swait.ge [sflag:s23], $0x1  }
0xa3: {  	[sflag:s23] =	ssyncset.done $0x0  }
0xa4: {  	s25 =	simm.s32 $0x1B8E;
	s24 =	sld [smem:$0x3FFE];
	[sflag:s23] =	ssyncadd.s32 $0xFFFFFFFF  }
0xa5: {  	s26 =	simm.s32 $execute0_lowered;
	[smem:$0x3FD2] =	sst s25  }
0xa6: {  	s5 =	sshll.u32 s26, $0x1;
	_ =	strace $0x80000046;
	[dreg:$0x1] =	wrdreg $0xFFFFFFFF  }
0xa7: {  	s28 =	simm.s32 $_size_execute0_lowered;
	s3 =	sadd.s32 s3, s5;
	[dreg:$0x0] =	wrdreg $0x0  }
0xa8: {  	s5 =	sshll.u32 s28, $0x1;
	[dreg:$0x2] =	wrdreg s3  }
0xa9: {  	[dreg:$0x3] =	wrdreg s5  }
0xaa: {  	[dreg:$0x4] =	wrdreg $0xC0  }
0xab: {  	_ =	task [dreg:s7], $0x5FFFF  }
0xac: {  	[dreg:$0x1] =	wrdreg $0xFFFFFFFF  }
0xad: {  	[dreg:$0x0] =	wrdreg $0x60  }
0xae: {  	[dreg:$0x2] =	wrdreg s24  }
0xaf: {  	[dreg:$0x3] =	wrdreg s2  }
0xb0: {  	[dreg:$0x4] =	wrdreg $0x9  }
0xb1: {  	_ =	task.clear_ibuf [dreg:s7], $0x5FFFF;
	_ =	strace $0x90000046  }
0xb2: {  	s29 =	simm.s32 $0x9;
	_ =	strace $0x80000048  }
0xb3: {  	_ =	swait.ge [sflag:s29], $0x1  }
0xb4: {  	[sflag:s29] =	ssyncadd.s32 $0xFFFFFFFF  }
0xb5: {  	_ =	strace $0x90000048  }
0xb6: {  	_ =	sfence  }
0xb7: {  	s30 =	sld [smem:$0x0];
	_ =	sdelay $0x2  }
0xb8: {  	s31 =	sshll.u32 s1, $0xD;
	s1 =	sshrl.u32 s1, $0x2  }
0xb9: {  	s3 =	sand.u32 $0x4000, s31;
	s1 =	sadd.s32 s1, s30  }
0xba: {  	s0 =	sor.u32 s3, s0;
	s1 =	sshll.u32 s1, $0x11  }
0xbb: {  	s0 =	sor.u32 s1, s0  }
0xbc: {  	s0 =	sadd.s32 $0x8F2B, s0  }
0xbd: {  	[sflag:s0] =	ssyncadd.remote.s32 $0x1  }
0xbe: {  	_ =	sfence.sel $0xFFFF  }
0xbf: {  	[dreg:$0x0] =	wrdreg $0xFFFFFFFF;
	(pc) =	sbr.abs _section_cstart, $3  }
0xc0: {  	[dreg:$0x1] =	wrdreg $0xFFFFFFFF  }
0xc1: {  	_ =	task.clear_ibuf [dreg:s7], $0x2FFFF;
	_ =	strace $0x9FFFFFFF  }
0xc2: {  	(tm) =	ssettm $0x7FFFFFFF  }
0xc3: {  	_ =	shalt  }
tec
execute0_lowered:
.L_overlay_start_1:
0x0: {  	(tag) =	ssettag $0x1  }
0x1: {  	s0 =	srdreg.scid;
	s5 =	rddreg [dreg:$0x0]  }
0x2: {  	s3 =	stileid.u32;
	s7 =	rddreg [dreg:$0x1];
	s28 =	simm.s32 $0x7000  }
0x3: {  	s29 =	simm.s32 $0x7800;
	s30 =	simm.s32 $0x8000;
	s31 =	simm.s32 $0x8800  }
0x4: {  	s13 =	simm.s32 $0x3;
	s16 =	simm.s32 $0x12800;
	s12 =	simm.s32 $0x13000  }
0x5: {  	s0 =	sand.u32 $0x1, s0;
	s1 =	smul.u32 $0x9C4, s3;
	s3 =	sshll.u32 s3, $0x1  }
0x6: {  	s17 =	simm.s32 $0x13800;
	s2 =	smul.u32 $0x4E2, s0;
	s3 =	sor.u32 s0, s3  }
0x7: {  	s18 =	simm.s32 $0x0;
	s0 =	ssub.s32 $0x2, s0;
	s6 =	smul.u32 $0x4E2, s3  }
0x8: {  	s3 =	sadd.s32 $0x6800, s5;
	s9 =	sshrl.u32 s0, $0x1;
	s1 =	sadd.s32 s2, s1  }
0x9: {  	s2 =	simm.s32 $0x0;
	s0 =	ssub.s32 s0, s9;
	s1 =	sshrl.u32 s1, $0x5  }
0xa: {  	s9 =	simm.s32 $0x1;
	s8 =	sshrl.u32 s6, $0x5;
	s4 =	smul.u32 $0x1400, s1  }
0xb: {  	[smem:$0x7FF] =	sst s2;
	s19 =	sadd.s32 $0x4E2, s6;
	s20 =	smul.u32 $0xA, s8  }
0xc: {  	s0 =	smax.u32 s0, $0x1;
	_ =	strace $0x80000047;
	s1 =	smul.u32 $0xA, s1  }
0xd: {  	[dreg:$0x5] =	wrdreg s0;
	s10 =	sadd.s32 s4, s5;
	s4 =	sshrl.u32 s19, $0x5  }
0xe: {  	s6 =	sadd.s32 s7, s20;
	s25 =	sadd.s32 s1, s7;
	s1 =	simm.s32 $0x9000  }
0xf: {  	s4 =	ssub.s32 s4, s8;
	s8 =	smul.u32 $0x50, s8;
	[dreg:$0x3] =	wrdreg s6  }
0x10: {  	s6 =	sadd.s32 $0x6900, s5;
	s26 =	sadd.s32 $0x17C00, s10;
	s0 =	sadd.s32 $0x14, s25  }
0x11: {  	s25 =	simm.s32 $0x6000;
	s21 =	sadd.s32 $0x1, s4;
	[dreg:$0x6] =	wrdreg s26  }
0x12: {  	p0 =	slt.s32 s4, $0x0;
	[dreg:$0x7] =	wrdreg s0;
	s26 =	simm.s32 $0x6800  }
0x13: {  	s0 =	simm.s32 $0x9800;
	s22 =	sshrl.u32 s8, $0x3;
	s23 =	sand.u32 $0x8000, s21  }
0x14: {  	s11 =	sand.u32 $0x1, s21;
	s5 =	sadd.s32 s7, s22;
	s8 =	sshrl.u32 s23, $0xF  }
0x15: {  	p1 =	seq.s32 s11, $0x1;
	s23 =	simm.s32 $0x5000;
	s11 =	simm.s32 $0x12000  }
.Ltmp0:
0x16: {  	s8 =	sadd.s32 s8, s21;
	p0 =	por !p0, !p1;
	(pc) =	sbr.rel .LBB2_1-.Ltmp0, $4  }
0x17: {  	s5 =	sadd.s32 $0xA, s5;
	s24 =	sshll.u32 s8, $0x10;
	p0 =	por !p0, !p0  }
0x18: {  	v2 =	vlaneseq.u32;
	[dreg:$0x4] =	wrdreg s5;
	s5 =	sshra.s32 s24, $0x11;
	s9 =	simm.s32 @!p0 $0x0  }
0x19: {  	vm0 =	vmmov $0xffff;
	v1 =	vshrl.u32 v2, $0x3;
	s7 =	simm.s32 $0x5;
	s8 =	simm.s32 $0x1;
	s9 =	ssub.s32 s5, s9  }
0x1a: {  	v0 =	vand.u32 $0x7, v2;
	v2 =	vor.u32 $0x8, v2;
	v1 =	vmul.u32 $0x8, v1;
	s24 =	simm.s32 $0x5800;
	s5 =	simm.s32 $0x2;
	p0 =	slt.s32 s9, $0x1  }
.LBB2_7:
0x1b: {  	s18 =	sadd.s32 $0x1, s18;
	s10 =	rddreg [dreg:$0x5]  }
0x1c: {  	p1 =	sne.s32 s18, s10  }
.Ltmp1:
0x1d: {  	_ = 	snop;
	(pc) =	sbr.rel @!p1 .LBB2_8-.Ltmp1, $1  }
0x1e: {  	_ =	sdelay $0x3  }
.LBB2_1:
0x1f: {  	s10 =	rddreg [dreg:$0x3];
	s14 =	simm.s32 $0x14000  }
0x20: {  	[tilespmem:s14], [sflag:$0x1] =	stream.linear.gather [hbm4b:s10+s2], $0x50, $0x38;
	[tilespmem:$0x14100] =	vst v63  }
0x21: {  	_ =	swait.ge [sflag:s8], $0x50  }
0x22: {  	[sflag:s8] =	ssyncset.done $0x0  }
0x23: {  	[sflag:s8] =	ssyncadd.s32 $0xFFFFFFB0  }
0x24: {  	v3 =	vld [tilespmem:$0x14000];
	_ =	sdelay $0x4  }
0x25: {  	v4 =	vshll.u32 v3, $0x2  }
0x26: {  	v3 =	vand.u32 $0x7, v3;
	v4 =	vand.u32 $0xFFFFFFE0, v4  }
0x27: {  	v3 =	vor.u32 v3, v4  }
0x28: {  	v4 =	vperm.xlane v3, v0;
	_ =	sdelay $0x1  }
0x29: {  	v4 =	vadd.s32 v1, v4;
	_ =	sdelay $0x1  }
0x2a: {  	v3 =	vperm.xlane v3, v2;
	_ =	sdelay $0x1  }
0x2b: {  	v3 =	vadd.s32 v1, v3  }
0x2c: {  	[tilespmem:s2], [sflag:$0x3] =	stream.indirect_vreg.gather [hbm4b:s3+s2], $0x80, v4, vm0, $0xb8;
	[tilespmem:$0x14100] =	vst v63  }
0x2d: {  	s15 =	simm.s32 $0x800  }
0x2e: {  	[tilespmem:s15], [sflag:$0x3] =	stream.indirect_vreg.gather [hbm4b:s6+s2], $0x80, v4, vm0, $0xb8;
	[tilespmem:$0x14100] =	vst v63  }
0x2f: {  	s19 =	simm.s32 $0x1000  }
0x30: {  	[tilespmem:s19], [sflag:$0x3] =	stream.indirect_vreg.gather [hbm4b:s3+s2], $0x80, v3, vm0, $0xb8;
	[tilespmem:$0x14100] =	vst v63  }
0x31: {  	s20 =	simm.s32 $0x1800  }
0x32: {  	[tilespmem:s20], [sflag:$0x3] =	stream.indirect_vreg.gather [hbm4b:s6+s2], $0x80, v3, vm0, $0xb8;
	[tilespmem:$0x14100] =	vst v63  }
0x33: {  	v3 =	vld [tilespmem:$0x14010];
	_ =	sdelay $0x4  }
0x34: {  	v60 =	vshll.u32 v3, $0x2  }
0x35: {  	v3 =	vand.u32 $0x7, v3;
	v4 =	vand.u32 $0xFFFFFFE0, v60  }
0x36: {  	v3 =	vor.u32 v3, v4  }
0x37: {  	v4 =	vperm.xlane v3, v0;
	_ =	sdelay $0x1  }
0x38: {  	v4 =	vadd.s32 v1, v4;
	_ =	sdelay $0x1  }
0x39: {  	v3 =	vperm.xlane v3, v2;
	_ =	sdelay $0x1  }
0x3a: {  	s21 =	simm.s32 $0x2000;
	v3 =	vadd.s32 v1, v3  }
0x3b: {  	[tilespmem:s21], [sflag:$0x3] =	stream.indirect_vreg.gather [hbm4b:s3+s2], $0x80, v4, vm0, $0xb8;
	[tilespmem:$0x14100] =	vst v63  }
0x3c: {  	s22 =	simm.s32 $0x2800  }
0x3d: {  	[tilespmem:s22], [sflag:$0x3] =	stream.indirect_vreg.gather [hbm4b:s6+s2], $0x80, v4, vm0, $0xb8;
	[tilespmem:$0x14100] =	vst v63  }
0x3e: {  	s14 =	simm.s32 $0x3000  }
0x3f: {  	[tilespmem:s14], [sflag:$0x3] =	stream.indirect_vreg.gather [hbm4b:s3+s2], $0x80, v3, vm0, $0xb8;
	[tilespmem:$0x14100] =	vst v63  }
0x40: {  	s15 =	simm.s32 $0x3800  }
0x41: {  	[tilespmem:s15], [sflag:$0x3] =	stream.indirect_vreg.gather [hbm4b:s6+s2], $0x80, v3, vm0, $0xb8;
	[tilespmem:$0x14100] =	vst v63  }
0x42: {  	v3 =	vld [tilespmem:$0x14020];
	_ =	sdelay $0x4  }
0x43: {  	v61 =	vshll.u32 v3, $0x2  }
0x44: {  	v3 =	vand.u32 $0x7, v3;
	v4 =	vand.u32 $0xFFFFFFE0, v61  }
0x45: {  	v3 =	vor.u32 v3, v4  }
0x46: {  	v4 =	vperm.xlane v3, v0;
	_ =	sdelay $0x1  }
0x47: {  	v4 =	vadd.s32 v1, v4;
	_ =	sdelay $0x1  }
0x48: {  	v3 =	vperm.xlane v3, v2;
	_ =	sdelay $0x1  }
0x49: {  	s19 =	simm.s32 $0x4000;
	v3 =	vadd.s32 v1, v3  }
0x4a: {  	[tilespmem:s19], [sflag:$0x3] =	stream.indirect_vreg.gather [hbm4b:s3+s2], $0x80, v4, vm0, $0xb8;
	[tilespmem:$0x14100] =	vst v63  }
0x4b: {  	s20 =	simm.s32 $0x4800  }
0x4c: {  	[tilespmem:s20], [sflag:$0x3] =	stream.indirect_vreg.gather [hbm4b:s6+s2], $0x80, v4, vm0, $0xb8;
	[tilespmem:$0x14100] =	vst v63  }
0x4d: {  	_ = 	snop  }
0x4e: {  	[tilespmem:s23], [sflag:$0x3] =	stream.indirect_vreg.gather [hbm4b:s3+s2], $0x80, v3, vm0, $0xb8;
	[tilespmem:$0x14100] =	vst v63  }
0x4f: {  	_ = 	snop  }
0x50: {  	[tilespmem:s24], [sflag:$0x3] =	stream.indirect_vreg.gather [hbm4b:s6+s2], $0x80, v3, vm0, $0xb8;
	[tilespmem:$0x14100] =	vst v63  }
0x51: {  	v3 =	vld [tilespmem:$0x14030];
	_ =	sdelay $0x4  }
0x52: {  	v62 =	vshll.u32 v3, $0x2  }
0x53: {  	v3 =	vand.u32 $0x7, v3;
	v4 =	vand.u32 $0xFFFFFFE0, v62  }
0x54: {  	v3 =	vor.u32 v3, v4  }
0x55: {  	v4 =	vperm.xlane v3, v0;
	_ =	sdelay $0x1  }
0x56: {  	v4 =	vadd.s32 v1, v4;
	_ =	sdelay $0x1  }
0x57: {  	v3 =	vperm.xlane v3, v2;
	_ =	sdelay $0x1  }
0x58: {  	v3 =	vadd.s32 v1, v3  }
0x59: {  	[tilespmem:s25], [sflag:$0x3] =	stream.indirect_vreg.gather [hbm4b:s3+s2], $0x80, v4, vm0, $0xb8;
	[tilespmem:$0x14100] =	vst v63  }
0x5a: {  	_ = 	snop  }
0x5b: {  	[tilespmem:s26], [sflag:$0x3] =	stream.indirect_vreg.gather [hbm4b:s6+s2], $0x80, v4, vm0, $0xb8;
	[tilespmem:$0x14100] =	vst v63  }
0x5c: {  	_ = 	snop  }
0x5d: {  	[tilespmem:s28], [sflag:$0x3] =	stream.indirect_vreg.gather [hbm4b:s3+s2], $0x80, v3, vm0, $0xb8;
	[tilespmem:$0x14100] =	vst v63  }
0x5e: {  	_ = 	snop  }
0x5f: {  	[tilespmem:s29], [sflag:$0x3] =	stream.indirect_vreg.gather [hbm4b:s6+s2], $0x80, v3, vm0, $0xb8;
	[tilespmem:$0x14100] =	vst v63  }
0x60: {  	v3 =	vld [tilespmem:$0x14040];
	_ =	sdelay $0x4  }
0x61: {  	v63 =	vshll.u32 v3, $0x2  }
0x62: {  	v3 =	vand.u32 $0x7, v3;
	v4 =	vand.u32 $0xFFFFFFE0, v63  }
0x63: {  	v3 =	vor.u32 v3, v4  }
0x64: {  	v4 =	vperm.xlane v3, v0;
	_ =	sdelay $0x1  }
0x65: {  	v4 =	vadd.s32 v1, v4;
	_ =	sdelay $0x1  }
0x66: {  	v3 =	vperm.xlane v3, v2;
	_ =	sdelay $0x1  }
0x67: {  	v3 =	vadd.s32 v1, v3  }
0x68: {  	[tilespmem:s30], [sflag:$0x3] =	stream.indirect_vreg.gather [hbm4b:s3+s2], $0x80, v4, vm0, $0xb8;
	[tilespmem:$0x14100] =	vst v63  }
0x69: {  	_ = 	snop  }
0x6a: {  	[tilespmem:s31], [sflag:$0x3] =	stream.indirect_vreg.gather [hbm4b:s6+s2], $0x80, v4, vm0, $0xb8;
	[tilespmem:$0x14100] =	vst v63  }
0x6b: {  	_ = 	snop  }
0x6c: {  	[tilespmem:s1], [sflag:$0x3] =	stream.indirect_vreg.gather [hbm4b:s3+s2], $0x80, v3, vm0, $0xb8;
	[tilespmem:$0x14100] =	vst v63  }
.Ltmp2:
0x6d: {  	s21 =	rddreg [dreg:$0x4];
	(pc) =	sbr.rel @!p0 .LBB2_2-.Ltmp2, $4  }
.Ltmp3:
0x6e: {  	s10 =	simm.s32 $0x0;
	s19 =	rddreg [dreg:$0x7];
	(pc) =	sbr.rel @p0 .LBB2_7-.Ltmp3, $4  }
0x6f: {  	[tilespmem:s0], [sflag:$0x3] =	stream.indirect_vreg.gather [hbm4b:s6+s2], $0x80, v3, vm0, $0xb8;
	[tilespmem:$0x14100] =	vst v63  }
0x70: {  	s22 =	simm.s32 $0x14080;
	s14 =	simm.s32 $0x1;
	s20 =	rddreg [dreg:$0x6]  }
0x71: {  	[tilespmem:s22], [sflag:$0x2] =	stream.linear.gather [hbm4b:s21+s2], $0x50, $0x38;
	[tilespmem:$0x14100] =	vst v63  }
0x72: {  	_ = 	snop  }
.LBB2_6:
0x73: {  	s15 =	simm.s32 @!p1 $0x0;
	s21 =	simm.s32 @!p1 $0xA000  }
0x74: {  	[hbm4b:s20+s15] =	stream.linear.scatter @!p1 [tilespmem:s21], [sflag:$0x6], $0xA000, $0x38;
	[tilespmem:$0x14100] =	vst v63  }
0x75: {  	s15 =	sadd.s32 @!p1 $0x2, s14  }
0x76: {  	p2 =	sge.s32 @!p1 s15, s4  }
0x77: {  	p2 =	por p2, p1  }
0x78: {  	s15 =	sadd.s32 @!p2 $0xA, s19;
	s21 =	simm.s32 @!p2 $0x0;
	s22 =	simm.s32 @!p2 $0x14080  }
0x79: {  	[tilespmem:s22], [sflag:$0x2] =	stream.linear.gather @!p2 [hbm4b:s15+s21], $0x50, $0x38;
	[tilespmem:$0x14100] =	vst v63  }
0x7a: {  	s15 =	simm.s32 @!p1 $0x6  }
0x7b: {  	_ =	swait.ge @!p1 [sflag:s15], $0xA000  }
0x7c: {  	s10 =	sadd.s32 $0x1, s10;
	[sflag:s15] =	ssyncset.done @!p1 $0x0  }
0x7d: {  	[sflag:s15] =	ssyncadd.s32 @!p1 $0xFFFF6000;
	p1 =	slt.s32 s10, s9  }
.Ltmp4:
0x7e: {  	_ = 	snop;
	(pc) =	sbr.rel @!p1 .LBB2_7-.Ltmp4, $2  }
0x7f: {  	_ =	sdelay $0x2  }
0x80: {  	s20 =	sadd.s32 $0x2800, s20;
	s14 =	sadd.s32 $0x2, s14;
	s19 =	sadd.s32 $0x14, s19  }
.LBB2_2:
0x81: {  	p1 =	sge.s32 s14, s4  }
.Ltmp5:
0x82: {  	_ = 	snop;
	(pc) =	sbr.rel @p1 .LBB2_4-.Ltmp5, $4  }
0x83: {  	_ = 	snop  }
0x84: {  	_ =	swait.ge [sflag:s13], $0xA000  }
0x85: {  	[sflag:s13] =	ssyncset.done $0x0  }
0x86: {  	[sflag:s13] =	ssyncadd.s32 $0xFFFF6000  }
0x87: {  	_ =	swait.ge [sflag:s5], $0x50  }
0x88: {  	[sflag:s5] =	ssyncset.done $0x0  }
0x89: {  	[sflag:s5] =	ssyncadd.s32 $0xFFFFFFB0  }
0x8a: {  	v3 =	vld [tilespmem:$0x14080];
	_ =	sdelay $0x4  }
0x8b: {  	v4 =	vshll.u32 v3, $0x2  }
0x8c: {  	v3 =	vand.u32 $0x7, v3;
	v4 =	vand.u32 $0xFFFFFFE0, v4  }
0x8d: {  	v3 =	vor.u32 v3, v4  }
0x8e: {  	v4 =	vperm.xlane v3, v0;
	_ =	sdelay $0x1  }
0x8f: {  	v4 =	vadd.s32 v1, v4;
	_ =	sdelay $0x1  }
0x90: {  	v3 =	vperm.xlane v3, v2;
	_ =	sdelay $0x1  }
0x91: {  	s15 =	simm.s32 $0xA000;
	v3 =	vadd.s32 v1, v3  }
0x92: {  	[tilespmem:s15], [sflag:$0x4] =	stream.indirect_vreg.gather [hbm4b:s3+s2], $0x80, v4, vm0, $0xb8;
	[tilespmem:$0x14100] =	vst v63  }
0x93: {  	s22 =	simm.s32 $0xA800  }
0x94: {  	[tilespmem:s22], [sflag:$0x4] =	stream.indirect_vreg.gather [hbm4b:s6+s2], $0x80, v4, vm0, $0xb8;
	[tilespmem:$0x14100] =	vst v63  }
0x95: {  	s21 =	simm.s32 $0xB000  }
0x96: {  	[tilespmem:s21], [sflag:$0x4] =	stream.indirect_vreg.gather [hbm4b:s3+s2], $0x80, v3, vm0, $0xb8;
	[tilespmem:$0x14100] =	vst v63  }
0x97: {  	s22 =	simm.s32 $0xB800  }
0x98: {  	[tilespmem:s22], [sflag:$0x4] =	stream.indirect_vreg.gather [hbm4b:s6+s2], $0x80, v3, vm0, $0xb8;
	[tilespmem:$0x14100] =	vst v63  }
0x99: {  	v3 =	vld [tilespmem:$0x14090];
	_ =	sdelay $0x4  }
0x9a: {  	v60 =	vshll.u32 v3, $0x2  }
0x9b: {  	v3 =	vand.u32 $0x7, v3;
	v4 =	vand.u32 $0xFFFFFFE0, v60  }
0x9c: {  	v3 =	vor.u32 v3, v4  }
0x9d: {  	v4 =	vperm.xlane v3, v0;
	_ =	sdelay $0x1  }
0x9e: {  	v4 =	vadd.s32 v1, v4;
	_ =	sdelay $0x1  }
0x9f: {  	v3 =	vperm.xlane v3, v2;
	_ =	sdelay $0x1  }
0xa0: {  	s21 =	simm.s32 $0xC000;
	v3 =	vadd.s32 v1, v3  }
0xa1: {  	[tilespmem:s21], [sflag:$0x4] =	stream.indirect_vreg.gather [hbm4b:s3+s2], $0x80, v4, vm0, $0xb8;
	[tilespmem:$0x14100] =	vst v63  }
0xa2: {  	s22 =	simm.s32 $0xC800  }
0xa3: {  	[tilespmem:s22], [sflag:$0x4] =	stream.indirect_vreg.gather [hbm4b:s6+s2], $0x80, v4, vm0, $0xb8;
	[tilespmem:$0x14100] =	vst v63  }
0xa4: {  	s21 =	simm.s32 $0xD000  }
0xa5: {  	[tilespmem:s21], [sflag:$0x4] =	stream.indirect_vreg.gather [hbm4b:s3+s2], $0x80, v3, vm0, $0xb8;
	[tilespmem:$0x14100] =	vst v63  }
0xa6: {  	s22 =	simm.s32 $0xD800  }
0xa7: {  	[tilespmem:s22], [sflag:$0x4] =	stream.indirect_vreg.gather [hbm4b:s6+s2], $0x80, v3, vm0, $0xb8;
	[tilespmem:$0x14100] =	vst v63  }
0xa8: {  	v3 =	vld [tilespmem:$0x140A0];
	_ =	sdelay $0x4  }
0xa9: {  	v61 =	vshll.u32 v3, $0x2  }
0xaa: {  	v3 =	vand.u32 $0x7, v3;
	v4 =	vand.u32 $0xFFFFFFE0, v61  }
0xab: {  	v3 =	vor.u32 v3, v4  }
0xac: {  	v4 =	vperm.xlane v3, v0;
	_ =	sdelay $0x1  }
0xad: {  	v4 =	vadd.s32 v1, v4;
	_ =	sdelay $0x1  }
0xae: {  	v3 =	vperm.xlane v3, v2;
	_ =	sdelay $0x1  }
0xaf: {  	s21 =	simm.s32 $0xE000;
	v3 =	vadd.s32 v1, v3  }
0xb0: {  	[tilespmem:s21], [sflag:$0x4] =	stream.indirect_vreg.gather [hbm4b:s3+s2], $0x80, v4, vm0, $0xb8;
	[tilespmem:$0x14100] =	vst v63  }
0xb1: {  	s22 =	simm.s32 $0xE800  }
0xb2: {  	[tilespmem:s22], [sflag:$0x4] =	stream.indirect_vreg.gather [hbm4b:s6+s2], $0x80, v4, vm0, $0xb8;
	[tilespmem:$0x14100] =	vst v63  }
0xb3: {  	s21 =	simm.s32 $0xF000  }
0xb4: {  	[tilespmem:s21], [sflag:$0x4] =	stream.indirect_vreg.gather [hbm4b:s3+s2], $0x80, v3, vm0, $0xb8;
	[tilespmem:$0x14100] =	vst v63  }
0xb5: {  	s22 =	simm.s32 $0xF800  }
0xb6: {  	[tilespmem:s22], [sflag:$0x4] =	stream.indirect_vreg.gather [hbm4b:s6+s2], $0x80, v3, vm0, $0xb8;
	[tilespmem:$0x14100] =	vst v63  }
0xb7: {  	v3 =	vld [tilespmem:$0x140B0];
	_ =	sdelay $0x4  }
0xb8: {  	v62 =	vshll.u32 v3, $0x2  }
0xb9: {  	v3 =	vand.u32 $0x7, v3;
	v4 =	vand.u32 $0xFFFFFFE0, v62  }
0xba: {  	v3 =	vor.u32 v3, v4  }
0xbb: {  	v4 =	vperm.xlane v3, v0;
	_ =	sdelay $0x1  }
0xbc: {  	v4 =	vadd.s32 v1, v4;
	_ =	sdelay $0x1  }
0xbd: {  	v3 =	vperm.xlane v3, v2;
	_ =	sdelay $0x1  }
0xbe: {  	s21 =	simm.s32 $0x10000;
	v3 =	vadd.s32 v1, v3  }
0xbf: {  	[tilespmem:s21], [sflag:$0x4] =	stream.indirect_vreg.gather [hbm4b:s3+s2], $0x80, v4, vm0, $0xb8;
	[tilespmem:$0x14100] =	vst v63  }
0xc0: {  	s22 =	simm.s32 $0x10800  }
0xc1: {  	[tilespmem:s22], [sflag:$0x4] =	stream.indirect_vreg.gather [hbm4b:s6+s2], $0x80, v4, vm0, $0xb8;
	[tilespmem:$0x14100] =	vst v63  }
0xc2: {  	s21 =	simm.s32 $0x11000  }
0xc3: {  	[tilespmem:s21], [sflag:$0x4] =	stream.indirect_vreg.gather [hbm4b:s3+s2], $0x80, v3, vm0, $0xb8;
	[tilespmem:$0x14100] =	vst v63  }
0xc4: {  	s22 =	simm.s32 $0x11800  }
0xc5: {  	[tilespmem:s22], [sflag:$0x4] =	stream.indirect_vreg.gather [hbm4b:s6+s2], $0x80, v3, vm0, $0xb8;
	[tilespmem:$0x14100] =	vst v63  }
0xc6: {  	v3 =	vld [tilespmem:$0x140C0];
	_ =	sdelay $0x4  }
0xc7: {  	v63 =	vshll.u32 v3, $0x2  }
0xc8: {  	v3 =	vand.u32 $0x7, v3;
	v4 =	vand.u32 $0xFFFFFFE0, v63  }
0xc9: {  	v3 =	vor.u32 v3, v4  }
0xca: {  	v4 =	vperm.xlane v3, v0;
	_ =	sdelay $0x1  }
0xcb: {  	v4 =	vadd.s32 v1, v4;
	_ =	sdelay $0x1  }
0xcc: {  	v3 =	vperm.xlane v3, v2;
	_ =	sdelay $0x1  }
0xcd: {  	v3 =	vadd.s32 v1, v3  }
0xce: {  	[tilespmem:s11], [sflag:$0x4] =	stream.indirect_vreg.gather [hbm4b:s3+s2], $0x80, v4, vm0, $0xb8;
	[tilespmem:$0x14100] =	vst v63  }
0xcf: {  	_ = 	snop  }
0xd0: {  	[tilespmem:s16], [sflag:$0x4] =	stream.indirect_vreg.gather [hbm4b:s6+s2], $0x80, v4, vm0, $0xb8;
	[tilespmem:$0x14100] =	vst v63  }
0xd1: {  	_ = 	snop  }
0xd2: {  	[tilespmem:s12], [sflag:$0x4] =	stream.indirect_vreg.gather [hbm4b:s3+s2], $0x80, v3, vm0, $0xb8;
	[tilespmem:$0x14100] =	vst v63  }
0xd3: {  	_ = 	snop  }
0xd4: {  	[tilespmem:s17], [sflag:$0x4] =	stream.indirect_vreg.gather [hbm4b:s6+s2], $0x80, v3, vm0, $0xb8;
	[tilespmem:$0x14100] =	vst v63  }
.LBB2_4:
0xd5: {  	s21 =	sadd.s32 $0xFFFFEC00, s20;
	s22 =	sadd.s32 $0x1, s14  }
0xd6: {  	[hbm4b:s21+s2] =	stream.linear.scatter [tilespmem:s2], [sflag:$0x5], $0xA000, $0x38;
	[tilespmem:$0x14100] =	vst v63  }
0xd7: {  	p2 =	sge.s32 s22, s4  }
0xd8: {  	s21 =	simm.s32 @!p2 $0x0;
	s15 =	simm.s32 @!p2 $0x14000  }
0xd9: {  	[tilespmem:s15], [sflag:$0x1] =	stream.linear.gather @!p2 [hbm4b:s19+s21], $0x50, $0x38;
	[tilespmem:$0x14100] =	vst v63  }
0xda: {  	s15 =	simm.s32 @!p1 $0x4  }
0xdb: {  	_ =	swait.ge @!p1 [sflag:s15], $0xA000  }
.Ltmp6:
0xdc: {  	[sflag:s15] =	ssyncset.done @!p1 $0x0;
	(pc) =	sbr.rel @p2 .LBB2_6-.Ltmp6, $4  }
0xdd: {  	[sflag:s15] =	ssyncadd.s32 @!p1 $0xFFFF6000  }
0xde: {  	_ =	swait.ge [sflag:s7], $0xA000  }
0xdf: {  	[sflag:s7] =	ssyncset.done $0x0  }
0xe0: {  	[sflag:s7] =	ssyncadd.s32 $0xFFFF6000  }
0xe1: {  	_ =	swait.ge [sflag:s8], $0x50  }
0xe2: {  	[sflag:s8] =	ssyncset.done $0x0  }
0xe3: {  	[sflag:s8] =	ssyncadd.s32 $0xFFFFFFB0  }
0xe4: {  	v3 =	vld [tilespmem:$0x14000];
	_ =	sdelay $0x4  }
0xe5: {  	v4 =	vshll.u32 v3, $0x2  }
0xe6: {  	v3 =	vand.u32 $0x7, v3;
	v4 =	vand.u32 $0xFFFFFFE0, v4  }
0xe7: {  	v3 =	vor.u32 v3, v4  }
0xe8: {  	v4 =	vperm.xlane v3, v0;
	_ =	sdelay $0x1  }
0xe9: {  	v4 =	vadd.s32 v1, v4;
	_ =	sdelay $0x1  }
0xea: {  	v3 =	vperm.xlane v3, v2;
	_ =	sdelay $0x1  }
0xeb: {  	v3 =	vadd.s32 v1, v3  }
0xec: {  	[tilespmem:s2], [sflag:$0x3] =	stream.indirect_vreg.gather [hbm4b:s3+s2], $0x80, v4, vm0, $0xb8;
	[tilespmem:$0x14100] =	vst v63  }
0xed: {  	s15 =	simm.s32 $0x800  }
0xee: {  	[tilespmem:s15], [sflag:$0x3] =	stream.indirect_vreg.gather [hbm4b:s6+s2], $0x80, v4, vm0, $0xb8;
	[tilespmem:$0x14100] =	vst v63  }
0xef: {  	s21 =	simm.s32 $0x1000  }
0xf0: {  	[tilespmem:s21], [sflag:$0x3] =	stream.indirect_vreg.gather [hbm4b:s3+s2], $0x80, v3, vm0, $0xb8;
	[tilespmem:$0x14100] =	vst v63  }
0xf1: {  	s22 =	simm.s32 $0x1800  }
0xf2: {  	[tilespmem:s22], [sflag:$0x3] =	stream.indirect_vreg.gather [hbm4b:s6+s2], $0x80, v3, vm0, $0xb8;
	[tilespmem:$0x14100] =	vst v63  }
0xf3: {  	v3 =	vld [tilespmem:$0x14010];
	_ =	sdelay $0x4  }
0xf4: {  	v60 =	vshll.u32 v3, $0x2  }
0xf5: {  	v3 =	vand.u32 $0x7, v3;
	v4 =	vand.u32 $0xFFFFFFE0, v60  }
0xf6: {  	v3 =	vor.u32 v3, v4  }
0xf7: {  	v4 =	vperm.xlane v3, v0;
	_ =	sdelay $0x1  }
0xf8: {  	v4 =	vadd.s32 v1, v4;
	_ =	sdelay $0x1  }
0xf9: {  	v3 =	vperm.xlane v3, v2;
	_ =	sdelay $0x1  }
0xfa: {  	s21 =	simm.s32 $0x2000;
	v3 =	vadd.s32 v1, v3  }
0xfb: {  	[tilespmem:s21], [sflag:$0x3] =	stream.indirect_vreg.gather [hbm4b:s3+s2], $0x80, v4, vm0, $0xb8;
	[tilespmem:$0x14100] =	vst v63  }
0xfc: {  	s22 =	simm.s32 $0x2800  }
0xfd: {  	[tilespmem:s22], [sflag:$0x3] =	stream.indirect_vreg.gather [hbm4b:s6+s2], $0x80, v4, vm0, $0xb8;
	[tilespmem:$0x14100] =	vst v63  }
0xfe: {  	s21 =	simm.s32 $0x3000  }
0xff: {  	[tilespmem:s21], [sflag:$0x3] =	stream.indirect_vreg.gather [hbm4b:s3+s2], $0x80, v3, vm0, $0xb8;
	[tilespmem:$0x14100] =	vst v63  }
0x100: {  	s22 =	simm.s32 $0x3800  }
0x101: {  	[tilespmem:s22], [sflag:$0x3] =	stream.indirect_vreg.gather [hbm4b:s6+s2], $0x80, v3, vm0, $0xb8;
	[tilespmem:$0x14100] =	vst v63  }
0x102: {  	v3 =	vld [tilespmem:$0x14020];
	_ =	sdelay $0x4  }
0x103: {  	v61 =	vshll.u32 v3, $0x2  }
0x104: {  	v3 =	vand.u32 $0x7, v3;
	v4 =	vand.u32 $0xFFFFFFE0, v61  }
0x105: {  	v3 =	vor.u32 v3, v4  }
0x106: {  	v4 =	vperm.xlane v3, v0;
	_ =	sdelay $0x1  }
0x107: {  	v4 =	vadd.s32 v1, v4;
	_ =	sdelay $0x1  }
0x108: {  	v3 =	vperm.xlane v3, v2;
	_ =	sdelay $0x1  }
0x109: {  	s21 =	simm.s32 $0x4000;
	v3 =	vadd.s32 v1, v3  }
0x10a: {  	[tilespmem:s21], [sflag:$0x3] =	stream.indirect_vreg.gather [hbm4b:s3+s2], $0x80, v4, vm0, $0xb8;
	[tilespmem:$0x14100] =	vst v63  }
0x10b: {  	s22 =	simm.s32 $0x4800  }
0x10c: {  	[tilespmem:s22], [sflag:$0x3] =	stream.indirect_vreg.gather [hbm4b:s6+s2], $0x80, v4, vm0, $0xb8;
	[tilespmem:$0x14100] =	vst v63  }
0x10d: {  	_ = 	snop  }
0x10e: {  	[tilespmem:s23], [sflag:$0x3] =	stream.indirect_vreg.gather [hbm4b:s3+s2], $0x80, v3, vm0, $0xb8;
	[tilespmem:$0x14100] =	vst v63  }
0x10f: {  	_ = 	snop  }
0x110: {  	[tilespmem:s24], [sflag:$0x3] =	stream.indirect_vreg.gather [hbm4b:s6+s2], $0x80, v3, vm0, $0xb8;
	[tilespmem:$0x14100] =	vst v63  }
0x111: {  	v3 =	vld [tilespmem:$0x14030];
	_ =	sdelay $0x4  }
0x112: {  	v62 =	vshll.u32 v3, $0x2  }
0x113: {  	v3 =	vand.u32 $0x7, v3;
	v4 =	vand.u32 $0xFFFFFFE0, v62  }
0x114: {  	v3 =	vor.u32 v3, v4  }
0x115: {  	v4 =	vperm.xlane v3, v0;
	_ =	sdelay $0x1  }
0x116: {  	v4 =	vadd.s32 v1, v4;
	_ =	sdelay $0x1  }
0x117: {  	v3 =	vperm.xlane v3, v2;
	_ =	sdelay $0x1  }
0x118: {  	v3 =	vadd.s32 v1, v3  }
0x119: {  	[tilespmem:s25], [sflag:$0x3] =	stream.indirect_vreg.gather [hbm4b:s3+s2], $0x80, v4, vm0, $0xb8;
	[tilespmem:$0x14100] =	vst v63  }
0x11a: {  	_ = 	snop  }
0x11b: {  	[tilespmem:s26], [sflag:$0x3] =	stream.indirect_vreg.gather [hbm4b:s6+s2], $0x80, v4, vm0, $0xb8;
	[tilespmem:$0x14100] =	vst v63  }
0x11c: {  	_ = 	snop  }
0x11d: {  	[tilespmem:s28], [sflag:$0x3] =	stream.indirect_vreg.gather [hbm4b:s3+s2], $0x80, v3, vm0, $0xb8;
	[tilespmem:$0x14100] =	vst v63  }
0x11e: {  	_ = 	snop  }
0x11f: {  	[tilespmem:s29], [sflag:$0x3] =	stream.indirect_vreg.gather [hbm4b:s6+s2], $0x80, v3, vm0, $0xb8;
	[tilespmem:$0x14100] =	vst v63  }
0x120: {  	v3 =	vld [tilespmem:$0x14040];
	_ =	sdelay $0x4  }
0x121: {  	v63 =	vshll.u32 v3, $0x2  }
0x122: {  	v3 =	vand.u32 $0x7, v3;
	v4 =	vand.u32 $0xFFFFFFE0, v63  }
0x123: {  	v3 =	vor.u32 v3, v4  }
0x124: {  	v4 =	vperm.xlane v3, v0;
	_ =	sdelay $0x1  }
0x125: {  	v4 =	vadd.s32 v1, v4;
	_ =	sdelay $0x2  }
0x126: {  	v3 =	vperm.xlane v3, v2;
	_ =	sdelay $0x1  }
0x127: {  	v3 =	vadd.s32 v1, v3;
	[tilespmem:s30], [sflag:$0x3] =	stream.indirect_vreg.gather [hbm4b:s3+s2], $0x80, v4, vm0, $0xb8;
	[tilespmem:$0x14100] =	vst v63  }
0x128: {  	_ = 	snop  }
0x129: {  	[tilespmem:s31], [sflag:$0x3] =	stream.indirect_vreg.gather [hbm4b:s6+s2], $0x80, v4, vm0, $0xb8;
	[tilespmem:$0x14100] =	vst v63  }
.Ltmp7:
0x12a: {  	_ = 	snop;
	(pc) =	sbr.rel .LBB2_6-.Ltmp7, $4  }
0x12b: {  	_ = 	snop  }
0x12c: {  	[tilespmem:s1], [sflag:$0x3] =	stream.indirect_vreg.gather [hbm4b:s3+s2], $0x80, v3, vm0, $0xb8;
	[tilespmem:$0x14100] =	vst v63  }
0x12d: {  	_ = 	snop  }
0x12e: {  	[tilespmem:s0], [sflag:$0x3] =	stream.indirect_vreg.gather [hbm4b:s6+s2], $0x80, v3, vm0, $0xb8;
	[tilespmem:$0x14100] =	vst v63  }
.LBB2_8:
0x12f: {  	_ =	sfence.sel $0x180000  }
0x130: {  	[bflag:$0x0] =	sbarrier.arrive $0xFFFF  }
0x131: {  	_ =	strace $0x90000047  }
0x132: {  	s0 =	stileid.u32;
	[bflag:$0x2] =	sbarrier.arrive $0xFFFF  }
0x133: {  	p0 =	sne.s32 s0, $0x0;
	s0 =	rddreg [dreg:$0x2]  }
0x134: {  	s0 =	sadd.s32 @!p0 $0x100000, s0  }
0x135: {  	[sflag:s0] =	ssyncadd.tile.s32 @!p0 $0x1;
	_ =	shalt  }
.Lfunc_end2:
_tile_overlayer_lowered:
.L_overlay_start_2:
0x136: {  	(tag) =	ssettag $0x2  }
0x137: {  	s0 =	rddreg [dreg:$0x0];
	s2 =	stileid.u32  }
0x138: {  	s1 =	rddreg [dreg:$0x1];
	p0 =	sne.s32 s2, $0x0  }
0x139: {  	s3 =	rddreg [dreg:$0x2];
	[bflag:$0x3] =	sbarrier.arrive $0xFFFF;
	s2 =	simm.s32 @!p0 $0x1C07  }
0x13a: {  	[timem:s3], [sflag:s2] =	dma.local @!p0 [hbm:s0], s1  }
0x13b: {  	s0 =	simm.s32 @!p0 $0x7  }
0x13c: {  	_ =	swait.ge @!p0 [sflag:s0], s1  }
0x13d: {  	s1 =	ssub.s32 @!p0 $0x0, s1;
	[sflag:s0] =	ssyncset.done @!p0 $0x0  }
0x13e: {  	[sflag:s0] =	ssyncadd.s32 @!p0 s1  }
0x13f: {  	[bflag:$0x3] =	sbarrier.arrive $0xFFFF  }
0x140: {  	_ =	shalt  }

</sc_bundles>
